<compile_context>
chip_gen: v7x
topology: tpu7x:2x2x1
jax: 0.10.2.dev20260603
libtpu: 0.0.44.dev20260713+nightly
codegen_flags: <defaults>
</compile_context>

<pallas_src>
import functools

import jax
import jax.numpy as jnp
from jax import lax
from jax.experimental import pallas as pl
from jax.experimental.pallas import tpu as pltpu
from jax.experimental.pallas import tpu_sc as plsc

D_MODEL = 1024
NUM_CORES = 2
NUM_SUBCORES = 16
NUM_WORKERS = NUM_CORES * NUM_SUBCORES
TOTAL = 4 * 8192
PER_WORKER = TOTAL // NUM_WORKERS
CHUNK = 16
NUM_BUFS = 4
NUM_CHUNKS = PER_WORKER // CHUNK
NUM_ROUNDS = NUM_CHUNKS // NUM_BUFS

_mesh = plsc.VectorSubcoreMesh(core_axis_name="c", subcore_axis_name="s")


@functools.partial(
    pl.kernel,
    mesh=_mesh,
    out_type=jax.ShapeDtypeStruct((TOTAL, D_MODEL), jnp.float32),
    scratch_types=[
        pltpu.VMEM((NUM_CHUNKS, CHUNK), jnp.int32),
        pltpu.VMEM((NUM_BUFS, CHUNK, D_MODEL), jnp.float32),
        pltpu.SemaphoreType.DMA,
        pltpu.SemaphoreType.DMA,
        pltpu.SemaphoreType.DMA,
        pltpu.SemaphoreType.DMA,
        pltpu.SemaphoreType.DMA,
        pltpu.SemaphoreType.DMA,
        pltpu.SemaphoreType.DMA,
        pltpu.SemaphoreType.DMA,
    ],
)
def _gather_kernel(pe_hbm, idx_hbm, out_hbm, idx_v, bufs, *sems):
    gsem = sems[:NUM_BUFS]
    ssem = sems[NUM_BUFS:]
    wid = lax.axis_index("s") * NUM_CORES + lax.axis_index("c")
    base = wid * PER_WORKER
    pltpu.sync_copy(idx_hbm.at[wid], idx_v)

    def start_gather(c, b):
        pltpu.async_copy(pe_hbm.at[idx_v.at[c]], bufs.at[b], gsem[b])

    def wait_gather(c, b):
        pltpu.make_async_copy(pe_hbm.at[idx_v.at[c]], bufs.at[b], gsem[b]).wait()

    def start_scatter(c, b):
        pltpu.async_copy(
            bufs.at[b], out_hbm.at[pl.ds(base + c * CHUNK, CHUNK)], ssem[b]
        )

    def wait_scatter(c, b):
        pltpu.make_async_copy(
            bufs.at[b], out_hbm.at[pl.ds(base + c * CHUNK, CHUNK)], ssem[b]
        ).wait()

    for b in range(NUM_BUFS):
        start_gather(b, b)

    def body(i, carry):
        c0 = i * NUM_BUFS
        for b in range(NUM_BUFS):
            wait_gather(c0 + b, b)
            start_scatter(c0 + b, b)
        for b in range(NUM_BUFS):
            wait_scatter(c0 + b, b)
            start_gather(c0 + NUM_BUFS + b, b)
        return carry

    lax.fori_loop(0, NUM_ROUNDS - 1, body, 0)

    last = (NUM_ROUNDS - 1) * NUM_BUFS
    for b in range(NUM_BUFS):
        wait_gather(last + b, b)
        start_scatter(last + b, b)
    for b in range(NUM_BUFS):
        wait_scatter(last + b, b)


def kernel(position_ids, pe):
    idx = position_ids.reshape(NUM_WORKERS, NUM_CHUNKS, CHUNK).astype(jnp.int32)
    out = _gather_kernel(pe, idx)
    return out.reshape(position_ids.shape + (D_MODEL,))

# --- scband reference (transcript-rebuilt; emitter-appended) ---
"""Pipeline reference for scband-sinusoidal-positional-encoding-vectorized-76407468195907 (READ-ONLY COPY).

The authoritative reference and input builder live on the scoring server;
editing this copy changes nothing except your own understanding.
"""

import jax, jax.numpy as jnp
import numpy as np

MAX_LEN = 8192
D_MODEL = 1024
BASE = 10000
BATCH = 4
SEQ = 8192


def _compute_pe(max_len, d_model, base):
    position = jnp.arange(max_len, dtype=jnp.float32)[:, None]
    dim_indices = jnp.arange(0, d_model, 2, dtype=jnp.float32)
    frequencies = 1.0 / (base ** (dim_indices / d_model))
    angles = position * frequencies[None, :]
    pe = jnp.zeros((max_len, d_model), dtype=jnp.float32)
    pe = pe.at[:, 0::2].set(jnp.sin(angles))
    pe = pe.at[:, 1::2].set(jnp.cos(angles))
    return pe


def setup_inputs(seed: int = 0) -> dict:
    key = jax.random.key(seed)
    position_ids = jax.random.randint(key, (BATCH, SEQ), 0, MAX_LEN)
    pe = _compute_pe(MAX_LEN, D_MODEL, BASE)
    return {"position_ids": position_ids, "pe": pe}


def reference(position_ids, pe):
    # forward with position_ids: pe[position_ids]; dropout=0.0 -> identity
    return jnp.take(pe, position_ids, axis=0)

if __name__ == "__main__":
    import jax
    _d = setup_inputs()
    print(jax.jit(kernel)(*tuple(_d.values())))

</pallas_src>

<mosaic_0001>
#map = affine_map<(d0, d1) -> (0, 0)>
#map1 = affine_map<(d0, d1) -> (0, 0, 0)>
module attributes {stable_mosaic.version = 14 : i64} {
  func.func @_gather_kernel(%arg0: i32, %arg1: i32, %arg2: memref<8192x1024xf32, #tpu.memory_space<hbm>>, %arg3: memref<32x64x16xi32, #tpu.memory_space<hbm>>, %arg4: memref<32768x1024xf32, #tpu.memory_space<hbm>>, %arg5: memref<64x16xi32, #tpu.memory_space<vmem>>, %arg6: memref<4x16x1024xf32, #tpu.memory_space<vmem>>, %arg7: memref<!tpu.dma_semaphore, #tpu.memory_space<semaphore_mem>>, %arg8: memref<!tpu.dma_semaphore, #tpu.memory_space<semaphore_mem>>, %arg9: memref<!tpu.dma_semaphore, #tpu.memory_space<semaphore_mem>>, %arg10: memref<!tpu.dma_semaphore, #tpu.memory_space<semaphore_mem>>, %arg11: memref<!tpu.dma_semaphore, #tpu.memory_space<semaphore_mem>>, %arg12: memref<!tpu.dma_semaphore, #tpu.memory_space<semaphore_mem>>, %arg13: memref<!tpu.dma_semaphore, #tpu.memory_space<semaphore_mem>>, %arg14: memref<!tpu.dma_semaphore, #tpu.memory_space<semaphore_mem>>) attributes {dimension_semantics = [#tpu.dimension_semantics<core_parallel>, #tpu.dimension_semantics<subcore_parallel>], iteration_bounds = array<i64: 2, 16>, scalar_prefetch = 0 : i64, scratch_operands = 10 : i64, tpu.core_type = #tpu.core_type<sc_vector_subcore>, window_params = [{transform_indices = #map}, {transform_indices = #map1}, {transform_indices = #map}]} {
    %mul3A = arith.constant 2 : i32
    %mul3A_0 = arith.muli %arg1, %mul3A : i32
    %add3A = arith.addi %mul3A_0, %arg0 : i32
    %mul3A_1 = arith.constant 1024 : i32
    %mul3A_2 = arith.muli %add3A, %mul3A_1 : i32
    "tpu.region"() ({
      %run_scoped3A = tpu.sem_alloc : memref<!tpu.dma_semaphore, #tpu.memory_space<semaphore_mem>>
      %dma_start3A_222 = arith.constant 0 : i32
      %dma_start3A_223 = arith.constant 0 : i32
      %dma_start3A_224 = tpu.memref_slice %arg3[%add3A, %dma_start3A_222, %dma_start3A_223] : memref<32x64x16xi32, #tpu.memory_space<hbm>> -> memref<1x64x16xi32, #tpu.memory_space<hbm>>
      %dma_start3A_225 = tpu.memref_squeeze %dma_start3A_224 : memref<1x64x16xi32, #tpu.memory_space<hbm>> -> memref<64x16xi32, #tpu.memory_space<hbm>>
      %dma_start3A_226 = arith.constant 0 : i32
      %dma_start3A_227 = arith.constant 0 : i32
      %dma_start3A_228 = tpu.memref_slice %arg3[%add3A, %dma_start3A_226, %dma_start3A_227] : memref<32x64x16xi32, #tpu.memory_space<hbm>> -> memref<1x64x16xi32, #tpu.memory_space<hbm>>
      %dma_start3A_229 = tpu.memref_squeeze %dma_start3A_228 : memref<1x64x16xi32, #tpu.memory_space<hbm>> -> memref<64x16xi32, #tpu.memory_space<hbm>>
      tpu.enqueue_dma source(%dma_start3A_229 : memref<64x16xi32, #tpu.memory_space<hbm>>) target(%arg5 : memref<64x16xi32, #tpu.memory_space<vmem>>) target_semaphore(%run_scoped3A : memref<!tpu.dma_semaphore, #tpu.memory_space<semaphore_mem>>)
      %dma_wait3A_230 = arith.constant 0 : i32
      %dma_wait3A_231 = arith.constant 0 : i32
      %dma_wait3A_232 = tpu.memref_slice %arg3[%add3A, %dma_wait3A_230, %dma_wait3A_231] : memref<32x64x16xi32, #tpu.memory_space<hbm>> -> memref<1x64x16xi32, #tpu.memory_space<hbm>>
      %dma_wait3A_233 = tpu.memref_squeeze %dma_wait3A_232 : memref<1x64x16xi32, #tpu.memory_space<hbm>> -> memref<64x16xi32, #tpu.memory_space<hbm>>
      %dma_wait3A_234 = arith.constant 0 : i32
      %dma_wait3A_235 = arith.constant 0 : i32
      %dma_wait3A_236 = tpu.memref_slice %arg3[%add3A, %dma_wait3A_234, %dma_wait3A_235] : memref<32x64x16xi32, #tpu.memory_space<hbm>> -> memref<1x64x16xi32, #tpu.memory_space<hbm>>
      %dma_wait3A_237 = tpu.memref_squeeze %dma_wait3A_236 : memref<1x64x16xi32, #tpu.memory_space<hbm>> -> memref<64x16xi32, #tpu.memory_space<hbm>>
      tpu.wait_dma2 semaphore(%run_scoped3A : memref<!tpu.dma_semaphore, #tpu.memory_space<semaphore_mem>>) src(%dma_wait3A_237 : memref<64x16xi32, #tpu.memory_space<hbm>>) dst(%arg5 : memref<64x16xi32, #tpu.memory_space<vmem>>)
      tpu.yield
    }) : () -> ()
    %dma_start3A = arith.constant 0 : i32
    %dma_start3A_3 = arith.constant 0 : i32
    %dma_start3A_4 = arith.constant 0 : i32
    %dma_start3A_5 = arith.constant 0 : i32
    %dma_start3A_6 = tpu.memref_slice %arg6[%dma_start3A_3, %dma_start3A_4, %dma_start3A_5] : memref<4x16x1024xf32, #tpu.memory_space<vmem>> -> memref<1x16x1024xf32, #tpu.memory_space<vmem>>
    %dma_start3A_7 = tpu.memref_squeeze %dma_start3A_6 : memref<1x16x1024xf32, #tpu.memory_space<vmem>> -> memref<16x1024xf32, #tpu.memory_space<vmem>>
    %dma_start3A_8 = arith.constant 0 : i32
    %dma_start3A_9 = tpu.memref_slice %arg5[%dma_start3A, %dma_start3A_8] : memref<64x16xi32, #tpu.memory_space<vmem>> -> memref<1x16xi32, #tpu.memory_space<vmem>>
    %dma_start3A_10 = tpu.memref_squeeze %dma_start3A_9 : memref<1x16xi32, #tpu.memory_space<vmem>> -> memref<16xi32, #tpu.memory_space<vmem>>
    %dma_start3A_11 = arith.constant 0 : i32
    %dma_start3A_12 = arith.constant 0 : i32
    %dma_start3A_13 = tpu.memref_slice %arg2[%dma_start3A_11, %dma_start3A_12] : memref<8192x1024xf32, #tpu.memory_space<hbm>> -> memref<8192x1024xf32, #tpu.memory_space<hbm>>
    tpu.enqueue_indirect_dma source(%dma_start3A_13 : memref<8192x1024xf32, #tpu.memory_space<hbm>>) target(%dma_start3A_7 : memref<16x1024xf32, #tpu.memory_space<vmem>>) offsets(%dma_start3A_10 : memref<16xi32, #tpu.memory_space<vmem>>) semaphore(%arg7 : memref<!tpu.dma_semaphore, #tpu.memory_space<semaphore_mem>>)
    %dma_start3A_14 = arith.constant 1 : i32
    %dma_start3A_15 = arith.constant 1 : i32
    %dma_start3A_16 = arith.constant 0 : i32
    %dma_start3A_17 = arith.constant 0 : i32
    %dma_start3A_18 = tpu.memref_slice %arg6[%dma_start3A_15, %dma_start3A_16, %dma_start3A_17] : memref<4x16x1024xf32, #tpu.memory_space<vmem>> -> memref<1x16x1024xf32, #tpu.memory_space<vmem>>
    %dma_start3A_19 = tpu.memref_squeeze %dma_start3A_18 : memref<1x16x1024xf32, #tpu.memory_space<vmem>> -> memref<16x1024xf32, #tpu.memory_space<vmem>>
    %dma_start3A_20 = arith.constant 0 : i32
    %dma_start3A_21 = tpu.memref_slice %arg5[%dma_start3A_14, %dma_start3A_20] : memref<64x16xi32, #tpu.memory_space<vmem>> -> memref<1x16xi32, #tpu.memory_space<vmem>>
    %dma_start3A_22 = tpu.memref_squeeze %dma_start3A_21 : memref<1x16xi32, #tpu.memory_space<vmem>> -> memref<16xi32, #tpu.memory_space<vmem>>
    %dma_start3A_23 = arith.constant 0 : i32
    %dma_start3A_24 = arith.constant 0 : i32
    %dma_start3A_25 = tpu.memref_slice %arg2[%dma_start3A_23, %dma_start3A_24] : memref<8192x1024xf32, #tpu.memory_space<hbm>> -> memref<8192x1024xf32, #tpu.memory_space<hbm>>
    tpu.enqueue_indirect_dma source(%dma_start3A_25 : memref<8192x1024xf32, #tpu.memory_space<hbm>>) target(%dma_start3A_19 : memref<16x1024xf32, #tpu.memory_space<vmem>>) offsets(%dma_start3A_22 : memref<16xi32, #tpu.memory_space<vmem>>) semaphore(%arg8 : memref<!tpu.dma_semaphore, #tpu.memory_space<semaphore_mem>>)
    %dma_start3A_26 = arith.constant 2 : i32
    %dma_start3A_27 = arith.constant 2 : i32
    %dma_start3A_28 = arith.constant 0 : i32
    %dma_start3A_29 = arith.constant 0 : i32
    %dma_start3A_30 = tpu.memref_slice %arg6[%dma_start3A_27, %dma_start3A_28, %dma_start3A_29] : memref<4x16x1024xf32, #tpu.memory_space<vmem>> -> memref<1x16x1024xf32, #tpu.memory_space<vmem>>
    %dma_start3A_31 = tpu.memref_squeeze %dma_start3A_30 : memref<1x16x1024xf32, #tpu.memory_space<vmem>> -> memref<16x1024xf32, #tpu.memory_space<vmem>>
    %dma_start3A_32 = arith.constant 0 : i32
    %dma_start3A_33 = tpu.memref_slice %arg5[%dma_start3A_26, %dma_start3A_32] : memref<64x16xi32, #tpu.memory_space<vmem>> -> memref<1x16xi32, #tpu.memory_space<vmem>>
    %dma_start3A_34 = tpu.memref_squeeze %dma_start3A_33 : memref<1x16xi32, #tpu.memory_space<vmem>> -> memref<16xi32, #tpu.memory_space<vmem>>
    %dma_start3A_35 = arith.constant 0 : i32
    %dma_start3A_36 = arith.constant 0 : i32
    %dma_start3A_37 = tpu.memref_slice %arg2[%dma_start3A_35, %dma_start3A_36] : memref<8192x1024xf32, #tpu.memory_space<hbm>> -> memref<8192x1024xf32, #tpu.memory_space<hbm>>
    tpu.enqueue_indirect_dma source(%dma_start3A_37 : memref<8192x1024xf32, #tpu.memory_space<hbm>>) target(%dma_start3A_31 : memref<16x1024xf32, #tpu.memory_space<vmem>>) offsets(%dma_start3A_34 : memref<16xi32, #tpu.memory_space<vmem>>) semaphore(%arg9 : memref<!tpu.dma_semaphore, #tpu.memory_space<semaphore_mem>>)
    %dma_start3A_38 = arith.constant 3 : i32
    %dma_start3A_39 = arith.constant 3 : i32
    %dma_start3A_40 = arith.constant 0 : i32
    %dma_start3A_41 = arith.constant 0 : i32
    %dma_start3A_42 = tpu.memref_slice %arg6[%dma_start3A_39, %dma_start3A_40, %dma_start3A_41] : memref<4x16x1024xf32, #tpu.memory_space<vmem>> -> memref<1x16x1024xf32, #tpu.memory_space<vmem>>
    %dma_start3A_43 = tpu.memref_squeeze %dma_start3A_42 : memref<1x16x1024xf32, #tpu.memory_space<vmem>> -> memref<16x1024xf32, #tpu.memory_space<vmem>>
    %dma_start3A_44 = arith.constant 0 : i32
    %dma_start3A_45 = tpu.memref_slice %arg5[%dma_start3A_38, %dma_start3A_44] : memref<64x16xi32, #tpu.memory_space<vmem>> -> memref<1x16xi32, #tpu.memory_space<vmem>>
    %dma_start3A_46 = tpu.memref_squeeze %dma_start3A_45 : memref<1x16xi32, #tpu.memory_space<vmem>> -> memref<16xi32, #tpu.memory_space<vmem>>
    %dma_start3A_47 = arith.constant 0 : i32
    %dma_start3A_48 = arith.constant 0 : i32
    %dma_start3A_49 = tpu.memref_slice %arg2[%dma_start3A_47, %dma_start3A_48] : memref<8192x1024xf32, #tpu.memory_space<hbm>> -> memref<8192x1024xf32, #tpu.memory_space<hbm>>
    tpu.enqueue_indirect_dma source(%dma_start3A_49 : memref<8192x1024xf32, #tpu.memory_space<hbm>>) target(%dma_start3A_43 : memref<16x1024xf32, #tpu.memory_space<vmem>>) offsets(%dma_start3A_46 : memref<16xi32, #tpu.memory_space<vmem>>) semaphore(%arg10 : memref<!tpu.dma_semaphore, #tpu.memory_space<semaphore_mem>>)
    %scan3A = arith.constant 0 : i32
    %scan3A_50 = arith.constant 0 : i32
    %scan3A_51 = arith.constant 15 : i32
    %scan3A_52 = arith.addi %scan3A_50, %scan3A_51 : i32
    %scan3A_53 = arith.constant 1 : i32
    scf.for %scan3A_222 = %scan3A_50 to %scan3A_52 step %scan3A_53  : i32 {
      %mul3A_223 = arith.constant 4 : i32
      %mul3A_224 = arith.muli %scan3A_222, %mul3A_223 : i32
      %add3A_225 = arith.constant 0 : i32
      %add3A_226 = arith.addi %mul3A_224, %add3A_225 : i32
      %dma_wait3A_227 = arith.constant 0 : i32
      %dma_wait3A_228 = arith.constant 0 : i32
      %dma_wait3A_229 = arith.constant 0 : i32
      %dma_wait3A_230 = tpu.memref_slice %arg6[%dma_wait3A_227, %dma_wait3A_228, %dma_wait3A_229] : memref<4x16x1024xf32, #tpu.memory_space<vmem>> -> memref<1x16x1024xf32, #tpu.memory_space<vmem>>
      %dma_wait3A_231 = tpu.memref_squeeze %dma_wait3A_230 : memref<1x16x1024xf32, #tpu.memory_space<vmem>> -> memref<16x1024xf32, #tpu.memory_space<vmem>>
      %dma_wait3A_232 = arith.constant 0 : i32
      %dma_wait3A_233 = tpu.memref_slice %arg5[%add3A_226, %dma_wait3A_232] : memref<64x16xi32, #tpu.memory_space<vmem>> -> memref<1x16xi32, #tpu.memory_space<vmem>>
      %dma_wait3A_234 = tpu.memref_squeeze %dma_wait3A_233 : memref<1x16xi32, #tpu.memory_space<vmem>> -> memref<16xi32, #tpu.memory_space<vmem>>
      %dma_wait3A_235 = arith.constant 0 : i32
      %dma_wait3A_236 = arith.constant 0 : i32
      %dma_wait3A_237 = tpu.memref_slice %arg2[%dma_wait3A_235, %dma_wait3A_236] : memref<8192x1024xf32, #tpu.memory_space<hbm>> -> memref<8192x1024xf32, #tpu.memory_space<hbm>>
      tpu.wait_indirect_dma semaphore(%arg7 : memref<!tpu.dma_semaphore, #tpu.memory_space<semaphore_mem>>) src(%dma_wait3A_237 : memref<8192x1024xf32, #tpu.memory_space<hbm>>) dst(%dma_wait3A_231 : memref<16x1024xf32, #tpu.memory_space<vmem>>)
      %add3A_238 = arith.constant 0 : i32
      %add3A_239 = arith.addi %mul3A_224, %add3A_238 : i32
      %mul3A_240 = arith.constant 16 : i32
      %mul3A_241 = arith.muli %add3A_239, %mul3A_240 : i32
      %add3A_242 = arith.addi %mul3A_2, %mul3A_241 : i32
      %dma_start3A_243 = arith.constant 0 : i32
      %dma_start3A_244 = arith.constant 0 : i32
      %dma_start3A_245 = arith.constant 0 : i32
      %dma_start3A_246 = tpu.memref_slice %arg6[%dma_start3A_243, %dma_start3A_244, %dma_start3A_245] : memref<4x16x1024xf32, #tpu.memory_space<vmem>> -> memref<1x16x1024xf32, #tpu.memory_space<vmem>>
      %dma_start3A_247 = tpu.memref_squeeze %dma_start3A_246 : memref<1x16x1024xf32, #tpu.memory_space<vmem>> -> memref<16x1024xf32, #tpu.memory_space<vmem>>
      %dma_start3A_248 = arith.constant 0 : i32
      %dma_start3A_249 = tpu.memref_slice %arg4[%add3A_242, %dma_start3A_248] : memref<32768x1024xf32, #tpu.memory_space<hbm>> -> memref<16x1024xf32, #tpu.memory_space<hbm>>
      %dma_start3A_250 = arith.constant 0 : i32
      %dma_start3A_251 = tpu.memref_slice %arg4[%add3A_242, %dma_start3A_250] : memref<32768x1024xf32, #tpu.memory_space<hbm>> -> memref<16x1024xf32, #tpu.memory_space<hbm>>
      %dma_start3A_252 = arith.constant 0 : i32
      %dma_start3A_253 = arith.constant 0 : i32
      %dma_start3A_254 = tpu.memref_slice %arg6[%dma_start3A_243, %dma_start3A_252, %dma_start3A_253] : memref<4x16x1024xf32, #tpu.memory_space<vmem>> -> memref<1x16x1024xf32, #tpu.memory_space<vmem>>
      %dma_start3A_255 = tpu.memref_squeeze %dma_start3A_254 : memref<1x16x1024xf32, #tpu.memory_space<vmem>> -> memref<16x1024xf32, #tpu.memory_space<vmem>>
      tpu.enqueue_dma source(%dma_start3A_255 : memref<16x1024xf32, #tpu.memory_space<vmem>>) target(%dma_start3A_251 : memref<16x1024xf32, #tpu.memory_space<hbm>>) target_semaphore(%arg11 : memref<!tpu.dma_semaphore, #tpu.memory_space<semaphore_mem>>)
      %add3A_256 = arith.constant 1 : i32
      %add3A_257 = arith.addi %mul3A_224, %add3A_256 : i32
      %dma_wait3A_258 = arith.constant 1 : i32
      %dma_wait3A_259 = arith.constant 0 : i32
      %dma_wait3A_260 = arith.constant 0 : i32
      %dma_wait3A_261 = tpu.memref_slice %arg6[%dma_wait3A_258, %dma_wait3A_259, %dma_wait3A_260] : memref<4x16x1024xf32, #tpu.memory_space<vmem>> -> memref<1x16x1024xf32, #tpu.memory_space<vmem>>
      %dma_wait3A_262 = tpu.memref_squeeze %dma_wait3A_261 : memref<1x16x1024xf32, #tpu.memory_space<vmem>> -> memref<16x1024xf32, #tpu.memory_space<vmem>>
      %dma_wait3A_263 = arith.constant 0 : i32
      %dma_wait3A_264 = tpu.memref_slice %arg5[%add3A_257, %dma_wait3A_263] : memref<64x16xi32, #tpu.memory_space<vmem>> -> memref<1x16xi32, #tpu.memory_space<vmem>>
      %dma_wait3A_265 = tpu.memref_squeeze %dma_wait3A_264 : memref<1x16xi32, #tpu.memory_space<vmem>> -> memref<16xi32, #tpu.memory_space<vmem>>
      %dma_wait3A_266 = arith.constant 0 : i32
      %dma_wait3A_267 = arith.constant 0 : i32
      %dma_wait3A_268 = tpu.memref_slice %arg2[%dma_wait3A_266, %dma_wait3A_267] : memref<8192x1024xf32, #tpu.memory_space<hbm>> -> memref<8192x1024xf32, #tpu.memory_space<hbm>>
      tpu.wait_indirect_dma semaphore(%arg8 : memref<!tpu.dma_semaphore, #tpu.memory_space<semaphore_mem>>) src(%dma_wait3A_268 : memref<8192x1024xf32, #tpu.memory_space<hbm>>) dst(%dma_wait3A_262 : memref<16x1024xf32, #tpu.memory_space<vmem>>)
      %add3A_269 = arith.constant 1 : i32
      %add3A_270 = arith.addi %mul3A_224, %add3A_269 : i32
      %mul3A_271 = arith.constant 16 : i32
      %mul3A_272 = arith.muli %add3A_270, %mul3A_271 : i32
      %add3A_273 = arith.addi %mul3A_2, %mul3A_272 : i32
      %dma_start3A_274 = arith.constant 1 : i32
      %dma_start3A_275 = arith.constant 0 : i32
      %dma_start3A_276 = arith.constant 0 : i32
      %dma_start3A_277 = tpu.memref_slice %arg6[%dma_start3A_274, %dma_start3A_275, %dma_start3A_276] : memref<4x16x1024xf32, #tpu.memory_space<vmem>> -> memref<1x16x1024xf32, #tpu.memory_space<vmem>>
      %dma_start3A_278 = tpu.memref_squeeze %dma_start3A_277 : memref<1x16x1024xf32, #tpu.memory_space<vmem>> -> memref<16x1024xf32, #tpu.memory_space<vmem>>
      %dma_start3A_279 = arith.constant 0 : i32
      %dma_start3A_280 = tpu.memref_slice %arg4[%add3A_273, %dma_start3A_279] : memref<32768x1024xf32, #tpu.memory_space<hbm>> -> memref<16x1024xf32, #tpu.memory_space<hbm>>
      %dma_start3A_281 = arith.constant 0 : i32
      %dma_start3A_282 = tpu.memref_slice %arg4[%add3A_273, %dma_start3A_281] : memref<32768x1024xf32, #tpu.memory_space<hbm>> -> memref<16x1024xf32, #tpu.memory_space<hbm>>
      %dma_start3A_283 = arith.constant 0 : i32
      %dma_start3A_284 = arith.constant 0 : i32
      %dma_start3A_285 = tpu.memref_slice %arg6[%dma_start3A_274, %dma_start3A_283, %dma_start3A_284] : memref<4x16x1024xf32, #tpu.memory_space<vmem>> -> memref<1x16x1024xf32, #tpu.memory_space<vmem>>
      %dma_start3A_286 = tpu.memref_squeeze %dma_start3A_285 : memref<1x16x1024xf32, #tpu.memory_space<vmem>> -> memref<16x1024xf32, #tpu.memory_space<vmem>>
      tpu.enqueue_dma source(%dma_start3A_286 : memref<16x1024xf32, #tpu.memory_space<vmem>>) target(%dma_start3A_282 : memref<16x1024xf32, #tpu.memory_space<hbm>>) target_semaphore(%arg12 : memref<!tpu.dma_semaphore, #tpu.memory_space<semaphore_mem>>)
      %add3A_287 = arith.constant 2 : i32
      %add3A_288 = arith.addi %mul3A_224, %add3A_287 : i32
      %dma_wait3A_289 = arith.constant 2 : i32
      %dma_wait3A_290 = arith.constant 0 : i32
      %dma_wait3A_291 = arith.constant 0 : i32
      %dma_wait3A_292 = tpu.memref_slice %arg6[%dma_wait3A_289, %dma_wait3A_290, %dma_wait3A_291] : memref<4x16x1024xf32, #tpu.memory_space<vmem>> -> memref<1x16x1024xf32, #tpu.memory_space<vmem>>
      %dma_wait3A_293 = tpu.memref_squeeze %dma_wait3A_292 : memref<1x16x1024xf32, #tpu.memory_space<vmem>> -> memref<16x1024xf32, #tpu.memory_space<vmem>>
      %dma_wait3A_294 = arith.constant 0 : i32
      %dma_wait3A_295 = tpu.memref_slice %arg5[%add3A_288, %dma_wait3A_294] : memref<64x16xi32, #tpu.memory_space<vmem>> -> memref<1x16xi32, #tpu.memory_space<vmem>>
      %dma_wait3A_296 = tpu.memref_squeeze %dma_wait3A_295 : memref<1x16xi32, #tpu.memory_space<vmem>> -> memref<16xi32, #tpu.memory_space<vmem>>
      %dma_wait3A_297 = arith.constant 0 : i32
      %dma_wait3A_298 = arith.constant 0 : i32
      %dma_wait3A_299 = tpu.memref_slice %arg2[%dma_wait3A_297, %dma_wait3A_298] : memref<8192x1024xf32, #tpu.memory_space<hbm>> -> memref<8192x1024xf32, #tpu.memory_space<hbm>>
      tpu.wait_indirect_dma semaphore(%arg9 : memref<!tpu.dma_semaphore, #tpu.memory_space<semaphore_mem>>) src(%dma_wait3A_299 : memref<8192x1024xf32, #tpu.memory_space<hbm>>) dst(%dma_wait3A_293 : memref<16x1024xf32, #tpu.memory_space<vmem>>)
      %add3A_300 = arith.constant 2 : i32
      %add3A_301 = arith.addi %mul3A_224, %add3A_300 : i32
      %mul3A_302 = arith.constant 16 : i32
      %mul3A_303 = arith.muli %add3A_301, %mul3A_302 : i32
      %add3A_304 = arith.addi %mul3A_2, %mul3A_303 : i32
      %dma_start3A_305 = arith.constant 2 : i32
      %dma_start3A_306 = arith.constant 0 : i32
      %dma_start3A_307 = arith.constant 0 : i32
      %dma_start3A_308 = tpu.memref_slice %arg6[%dma_start3A_305, %dma_start3A_306, %dma_start3A_307] : memref<4x16x1024xf32, #tpu.memory_space<vmem>> -> memref<1x16x1024xf32, #tpu.memory_space<vmem>>
      %dma_start3A_309 = tpu.memref_squeeze %dma_start3A_308 : memref<1x16x1024xf32, #tpu.memory_space<vmem>> -> memref<16x1024xf32, #tpu.memory_space<vmem>>
      %dma_start3A_310 = arith.constant 0 : i32
      %dma_start3A_311 = tpu.memref_slice %arg4[%add3A_304, %dma_start3A_310] : memref<32768x1024xf32, #tpu.memory_space<hbm>> -> memref<16x1024xf32, #tpu.memory_space<hbm>>
      %dma_start3A_312 = arith.constant 0 : i32
      %dma_start3A_313 = tpu.memref_slice %arg4[%add3A_304, %dma_start3A_312] : memref<32768x1024xf32, #tpu.memory_space<hbm>> -> memref<16x1024xf32, #tpu.memory_space<hbm>>
      %dma_start3A_314 = arith.constant 0 : i32
      %dma_start3A_315 = arith.constant 0 : i32
      %dma_start3A_316 = tpu.memref_slice %arg6[%dma_start3A_305, %dma_start3A_314, %dma_start3A_315] : memref<4x16x1024xf32, #tpu.memory_space<vmem>> -> memref<1x16x1024xf32, #tpu.memory_space<vmem>>
      %dma_start3A_317 = tpu.memref_squeeze %dma_start3A_316 : memref<1x16x1024xf32, #tpu.memory_space<vmem>> -> memref<16x1024xf32, #tpu.memory_space<vmem>>
      tpu.enqueue_dma source(%dma_start3A_317 : memref<16x1024xf32, #tpu.memory_space<vmem>>) target(%dma_start3A_313 : memref<16x1024xf32, #tpu.memory_space<hbm>>) target_semaphore(%arg13 : memref<!tpu.dma_semaphore, #tpu.memory_space<semaphore_mem>>)
      %add3A_318 = arith.constant 3 : i32
      %add3A_319 = arith.addi %mul3A_224, %add3A_318 : i32
      %dma_wait3A_320 = arith.constant 3 : i32
      %dma_wait3A_321 = arith.constant 0 : i32
      %dma_wait3A_322 = arith.constant 0 : i32
      %dma_wait3A_323 = tpu.memref_slice %arg6[%dma_wait3A_320, %dma_wait3A_321, %dma_wait3A_322] : memref<4x16x1024xf32, #tpu.memory_space<vmem>> -> memref<1x16x1024xf32, #tpu.memory_space<vmem>>
      %dma_wait3A_324 = tpu.memref_squeeze %dma_wait3A_323 : memref<1x16x1024xf32, #tpu.memory_space<vmem>> -> memref<16x1024xf32, #tpu.memory_space<vmem>>
      %dma_wait3A_325 = arith.constant 0 : i32
      %dma_wait3A_326 = tpu.memref_slice %arg5[%add3A_319, %dma_wait3A_325] : memref<64x16xi32, #tpu.memory_space<vmem>> -> memref<1x16xi32, #tpu.memory_space<vmem>>
      %dma_wait3A_327 = tpu.memref_squeeze %dma_wait3A_326 : memref<1x16xi32, #tpu.memory_space<vmem>> -> memref<16xi32, #tpu.memory_space<vmem>>
      %dma_wait3A_328 = arith.constant 0 : i32
      %dma_wait3A_329 = arith.constant 0 : i32
      %dma_wait3A_330 = tpu.memref_slice %arg2[%dma_wait3A_328, %dma_wait3A_329] : memref<8192x1024xf32, #tpu.memory_space<hbm>> -> memref<8192x1024xf32, #tpu.memory_space<hbm>>
      tpu.wait_indirect_dma semaphore(%arg10 : memref<!tpu.dma_semaphore, #tpu.memory_space<semaphore_mem>>) src(%dma_wait3A_330 : memref<8192x1024xf32, #tpu.memory_space<hbm>>) dst(%dma_wait3A_324 : memref<16x1024xf32, #tpu.memory_space<vmem>>)
      %add3A_331 = arith.constant 3 : i32
      %add3A_332 = arith.addi %mul3A_224, %add3A_331 : i32
      %mul3A_333 = arith.constant 16 : i32
      %mul3A_334 = arith.muli %add3A_332, %mul3A_333 : i32
      %add3A_335 = arith.addi %mul3A_2, %mul3A_334 : i32
      %dma_start3A_336 = arith.constant 3 : i32
      %dma_start3A_337 = arith.constant 0 : i32
      %dma_start3A_338 = arith.constant 0 : i32
      %dma_start3A_339 = tpu.memref_slice %arg6[%dma_start3A_336, %dma_start3A_337, %dma_start3A_338] : memref<4x16x1024xf32, #tpu.memory_space<vmem>> -> memref<1x16x1024xf32, #tpu.memory_space<vmem>>
      %dma_start3A_340 = tpu.memref_squeeze %dma_start3A_339 : memref<1x16x1024xf32, #tpu.memory_space<vmem>> -> memref<16x1024xf32, #tpu.memory_space<vmem>>
      %dma_start3A_341 = arith.constant 0 : i32
      %dma_start3A_342 = tpu.memref_slice %arg4[%add3A_335, %dma_start3A_341] : memref<32768x1024xf32, #tpu.memory_space<hbm>> -> memref<16x1024xf32, #tpu.memory_space<hbm>>
      %dma_start3A_343 = arith.constant 0 : i32
      %dma_start3A_344 = tpu.memref_slice %arg4[%add3A_335, %dma_start3A_343] : memref<32768x1024xf32, #tpu.memory_space<hbm>> -> memref<16x1024xf32, #tpu.memory_space<hbm>>
      %dma_start3A_345 = arith.constant 0 : i32
      %dma_start3A_346 = arith.constant 0 : i32
      %dma_start3A_347 = tpu.memref_slice %arg6[%dma_start3A_336, %dma_start3A_345, %dma_start3A_346] : memref<4x16x1024xf32, #tpu.memory_space<vmem>> -> memref<1x16x1024xf32, #tpu.memory_space<vmem>>
      %dma_start3A_348 = tpu.memref_squeeze %dma_start3A_347 : memref<1x16x1024xf32, #tpu.memory_space<vmem>> -> memref<16x1024xf32, #tpu.memory_space<vmem>>
      tpu.enqueue_dma source(%dma_start3A_348 : memref<16x1024xf32, #tpu.memory_space<vmem>>) target(%dma_start3A_344 : memref<16x1024xf32, #tpu.memory_space<hbm>>) target_semaphore(%arg14 : memref<!tpu.dma_semaphore, #tpu.memory_space<semaphore_mem>>)
      %add3A_349 = arith.constant 0 : i32
      %add3A_350 = arith.addi %mul3A_224, %add3A_349 : i32
      %mul3A_351 = arith.constant 16 : i32
      %mul3A_352 = arith.muli %add3A_350, %mul3A_351 : i32
      %add3A_353 = arith.addi %mul3A_2, %mul3A_352 : i32
      %dma_wait3A_354 = arith.constant 0 : i32
      %dma_wait3A_355 = arith.constant 0 : i32
      %dma_wait3A_356 = arith.constant 0 : i32
      %dma_wait3A_357 = tpu.memref_slice %arg6[%dma_wait3A_354, %dma_wait3A_355, %dma_wait3A_356] : memref<4x16x1024xf32, #tpu.memory_space<vmem>> -> memref<1x16x1024xf32, #tpu.memory_space<vmem>>
      %dma_wait3A_358 = tpu.memref_squeeze %dma_wait3A_357 : memref<1x16x1024xf32, #tpu.memory_space<vmem>> -> memref<16x1024xf32, #tpu.memory_space<vmem>>
      %dma_wait3A_359 = arith.constant 0 : i32
      %dma_wait3A_360 = tpu.memref_slice %arg4[%add3A_353, %dma_wait3A_359] : memref<32768x1024xf32, #tpu.memory_space<hbm>> -> memref<16x1024xf32, #tpu.memory_space<hbm>>
      %dma_wait3A_361 = arith.constant 0 : i32
      %dma_wait3A_362 = tpu.memref_slice %arg4[%add3A_353, %dma_wait3A_361] : memref<32768x1024xf32, #tpu.memory_space<hbm>> -> memref<16x1024xf32, #tpu.memory_space<hbm>>
      %dma_wait3A_363 = arith.constant 0 : i32
      %dma_wait3A_364 = arith.constant 0 : i32
      %dma_wait3A_365 = tpu.memref_slice %arg6[%dma_wait3A_354, %dma_wait3A_363, %dma_wait3A_364] : memref<4x16x1024xf32, #tpu.memory_space<vmem>> -> memref<1x16x1024xf32, #tpu.memory_space<vmem>>
      %dma_wait3A_366 = tpu.memref_squeeze %dma_wait3A_365 : memref<1x16x1024xf32, #tpu.memory_space<vmem>> -> memref<16x1024xf32, #tpu.memory_space<vmem>>
      tpu.wait_dma2 semaphore(%arg11 : memref<!tpu.dma_semaphore, #tpu.memory_space<semaphore_mem>>) src(%dma_wait3A_366 : memref<16x1024xf32, #tpu.memory_space<vmem>>) dst(%dma_wait3A_362 : memref<16x1024xf32, #tpu.memory_space<hbm>>)
      %add3A_367 = arith.constant 4 : i32
      %add3A_368 = arith.addi %mul3A_224, %add3A_367 : i32
      %add3A_369 = arith.constant 0 : i32
      %add3A_370 = arith.addi %add3A_368, %add3A_369 : i32
      %dma_start3A_371 = arith.constant 0 : i32
      %dma_start3A_372 = arith.constant 0 : i32
      %dma_start3A_373 = arith.constant 0 : i32
      %dma_start3A_374 = tpu.memref_slice %arg6[%dma_start3A_371, %dma_start3A_372, %dma_start3A_373] : memref<4x16x1024xf32, #tpu.memory_space<vmem>> -> memref<1x16x1024xf32, #tpu.memory_space<vmem>>
      %dma_start3A_375 = tpu.memref_squeeze %dma_start3A_374 : memref<1x16x1024xf32, #tpu.memory_space<vmem>> -> memref<16x1024xf32, #tpu.memory_space<vmem>>
      %dma_start3A_376 = arith.constant 0 : i32
      %dma_start3A_377 = tpu.memref_slice %arg5[%add3A_370, %dma_start3A_376] : memref<64x16xi32, #tpu.memory_space<vmem>> -> memref<1x16xi32, #tpu.memory_space<vmem>>
      %dma_start3A_378 = tpu.memref_squeeze %dma_start3A_377 : memref<1x16xi32, #tpu.memory_space<vmem>> -> memref<16xi32, #tpu.memory_space<vmem>>
      %dma_start3A_379 = arith.constant 0 : i32
      %dma_start3A_380 = arith.constant 0 : i32
      %dma_start3A_381 = tpu.memref_slice %arg2[%dma_start3A_379, %dma_start3A_380] : memref<8192x1024xf32, #tpu.memory_space<hbm>> -> memref<8192x1024xf32, #tpu.memory_space<hbm>>
      tpu.enqueue_indirect_dma source(%dma_start3A_381 : memref<8192x1024xf32, #tpu.memory_space<hbm>>) target(%dma_start3A_375 : memref<16x1024xf32, #tpu.memory_space<vmem>>) offsets(%dma_start3A_378 : memref<16xi32, #tpu.memory_space<vmem>>) semaphore(%arg7 : memref<!tpu.dma_semaphore, #tpu.memory_space<semaphore_mem>>)
      %add3A_382 = arith.constant 1 : i32
      %add3A_383 = arith.addi %mul3A_224, %add3A_382 : i32
      %mul3A_384 = arith.constant 16 : i32
      %mul3A_385 = arith.muli %add3A_383, %mul3A_384 : i32
      %add3A_386 = arith.addi %mul3A_2, %mul3A_385 : i32
      %dma_wait3A_387 = arith.constant 1 : i32
      %dma_wait3A_388 = arith.constant 0 : i32
      %dma_wait3A_389 = arith.constant 0 : i32
      %dma_wait3A_390 = tpu.memref_slice %arg6[%dma_wait3A_387, %dma_wait3A_388, %dma_wait3A_389] : memref<4x16x1024xf32, #tpu.memory_space<vmem>> -> memref<1x16x1024xf32, #tpu.memory_space<vmem>>
      %dma_wait3A_391 = tpu.memref_squeeze %dma_wait3A_390 : memref<1x16x1024xf32, #tpu.memory_space<vmem>> -> memref<16x1024xf32, #tpu.memory_space<vmem>>
      %dma_wait3A_392 = arith.constant 0 : i32
      %dma_wait3A_393 = tpu.memref_slice %arg4[%add3A_386, %dma_wait3A_392] : memref<32768x1024xf32, #tpu.memory_space<hbm>> -> memref<16x1024xf32, #tpu.memory_space<hbm>>
      %dma_wait3A_394 = arith.constant 0 : i32
      %dma_wait3A_395 = tpu.memref_slice %arg4[%add3A_386, %dma_wait3A_394] : memref<32768x1024xf32, #tpu.memory_space<hbm>> -> memref<16x1024xf32, #tpu.memory_space<hbm>>
      %dma_wait3A_396 = arith.constant 0 : i32
      %dma_wait3A_397 = arith.constant 0 : i32
      %dma_wait3A_398 = tpu.memref_slice %arg6[%dma_wait3A_387, %dma_wait3A_396, %dma_wait3A_397] : memref<4x16x1024xf32, #tpu.memory_space<vmem>> -> memref<1x16x1024xf32, #tpu.memory_space<vmem>>
      %dma_wait3A_399 = tpu.memref_squeeze %dma_wait3A_398 : memref<1x16x1024xf32, #tpu.memory_space<vmem>> -> memref<16x1024xf32, #tpu.memory_space<vmem>>
      tpu.wait_dma2 semaphore(%arg12 : memref<!tpu.dma_semaphore, #tpu.memory_space<semaphore_mem>>) src(%dma_wait3A_399 : memref<16x1024xf32, #tpu.memory_space<vmem>>) dst(%dma_wait3A_395 : memref<16x1024xf32, #tpu.memory_space<hbm>>)
      %add3A_400 = arith.constant 4 : i32
      %add3A_401 = arith.addi %mul3A_224, %add3A_400 : i32
      %add3A_402 = arith.constant 1 : i32
      %add3A_403 = arith.addi %add3A_401, %add3A_402 : i32
      %dma_start3A_404 = arith.constant 1 : i32
      %dma_start3A_405 = arith.constant 0 : i32
      %dma_start3A_406 = arith.constant 0 : i32
      %dma_start3A_407 = tpu.memref_slice %arg6[%dma_start3A_404, %dma_start3A_405, %dma_start3A_406] : memref<4x16x1024xf32, #tpu.memory_space<vmem>> -> memref<1x16x1024xf32, #tpu.memory_space<vmem>>
      %dma_start3A_408 = tpu.memref_squeeze %dma_start3A_407 : memref<1x16x1024xf32, #tpu.memory_space<vmem>> -> memref<16x1024xf32, #tpu.memory_space<vmem>>
      %dma_start3A_409 = arith.constant 0 : i32
      %dma_start3A_410 = tpu.memref_slice %arg5[%add3A_403, %dma_start3A_409] : memref<64x16xi32, #tpu.memory_space<vmem>> -> memref<1x16xi32, #tpu.memory_space<vmem>>
      %dma_start3A_411 = tpu.memref_squeeze %dma_start3A_410 : memref<1x16xi32, #tpu.memory_space<vmem>> -> memref<16xi32, #tpu.memory_space<vmem>>
      %dma_start3A_412 = arith.constant 0 : i32
      %dma_start3A_413 = arith.constant 0 : i32
      %dma_start3A_414 = tpu.memref_slice %arg2[%dma_start3A_412, %dma_start3A_413] : memref<8192x1024xf32, #tpu.memory_space<hbm>> -> memref<8192x1024xf32, #tpu.memory_space<hbm>>
      tpu.enqueue_indirect_dma source(%dma_start3A_414 : memref<8192x1024xf32, #tpu.memory_space<hbm>>) target(%dma_start3A_408 : memref<16x1024xf32, #tpu.memory_space<vmem>>) offsets(%dma_start3A_411 : memref<16xi32, #tpu.memory_space<vmem>>) semaphore(%arg8 : memref<!tpu.dma_semaphore, #tpu.memory_space<semaphore_mem>>)
      %add3A_415 = arith.constant 2 : i32
      %add3A_416 = arith.addi %mul3A_224, %add3A_415 : i32
      %mul3A_417 = arith.constant 16 : i32
      %mul3A_418 = arith.muli %add3A_416, %mul3A_417 : i32
      %add3A_419 = arith.addi %mul3A_2, %mul3A_418 : i32
      %dma_wait3A_420 = arith.constant 2 : i32
      %dma_wait3A_421 = arith.constant 0 : i32
      %dma_wait3A_422 = arith.constant 0 : i32
      %dma_wait3A_423 = tpu.memref_slice %arg6[%dma_wait3A_420, %dma_wait3A_421, %dma_wait3A_422] : memref<4x16x1024xf32, #tpu.memory_space<vmem>> -> memref<1x16x1024xf32, #tpu.memory_space<vmem>>
      %dma_wait3A_424 = tpu.memref_squeeze %dma_wait3A_423 : memref<1x16x1024xf32, #tpu.memory_space<vmem>> -> memref<16x1024xf32, #tpu.memory_space<vmem>>
      %dma_wait3A_425 = arith.constant 0 : i32
      %dma_wait3A_426 = tpu.memref_slice %arg4[%add3A_419, %dma_wait3A_425] : memref<32768x1024xf32, #tpu.memory_space<hbm>> -> memref<16x1024xf32, #tpu.memory_space<hbm>>
      %dma_wait3A_427 = arith.constant 0 : i32
      %dma_wait3A_428 = tpu.memref_slice %arg4[%add3A_419, %dma_wait3A_427] : memref<32768x1024xf32, #tpu.memory_space<hbm>> -> memref<16x1024xf32, #tpu.memory_space<hbm>>
      %dma_wait3A_429 = arith.constant 0 : i32
      %dma_wait3A_430 = arith.constant 0 : i32
      %dma_wait3A_431 = tpu.memref_slice %arg6[%dma_wait3A_420, %dma_wait3A_429, %dma_wait3A_430] : memref<4x16x1024xf32, #tpu.memory_space<vmem>> -> memref<1x16x1024xf32, #tpu.memory_space<vmem>>
      %dma_wait3A_432 = tpu.memref_squeeze %dma_wait3A_431 : memref<1x16x1024xf32, #tpu.memory_space<vmem>> -> memref<16x1024xf32, #tpu.memory_space<vmem>>
      tpu.wait_dma2 semaphore(%arg13 : memref<!tpu.dma_semaphore, #tpu.memory_space<semaphore_mem>>) src(%dma_wait3A_432 : memref<16x1024xf32, #tpu.memory_space<vmem>>) dst(%dma_wait3A_428 : memref<16x1024xf32, #tpu.memory_space<hbm>>)
      %add3A_433 = arith.constant 4 : i32
      %add3A_434 = arith.addi %mul3A_224, %add3A_433 : i32
      %add3A_435 = arith.constant 2 : i32
      %add3A_436 = arith.addi %add3A_434, %add3A_435 : i32
      %dma_start3A_437 = arith.constant 2 : i32
      %dma_start3A_438 = arith.constant 0 : i32
      %dma_start3A_439 = arith.constant 0 : i32
      %dma_start3A_440 = tpu.memref_slice %arg6[%dma_start3A_437, %dma_start3A_438, %dma_start3A_439] : memref<4x16x1024xf32, #tpu.memory_space<vmem>> -> memref<1x16x1024xf32, #tpu.memory_space<vmem>>
      %dma_start3A_441 = tpu.memref_squeeze %dma_start3A_440 : memref<1x16x1024xf32, #tpu.memory_space<vmem>> -> memref<16x1024xf32, #tpu.memory_space<vmem>>
      %dma_start3A_442 = arith.constant 0 : i32
      %dma_start3A_443 = tpu.memref_slice %arg5[%add3A_436, %dma_start3A_442] : memref<64x16xi32, #tpu.memory_space<vmem>> -> memref<1x16xi32, #tpu.memory_space<vmem>>
      %dma_start3A_444 = tpu.memref_squeeze %dma_start3A_443 : memref<1x16xi32, #tpu.memory_space<vmem>> -> memref<16xi32, #tpu.memory_space<vmem>>
      %dma_start3A_445 = arith.constant 0 : i32
      %dma_start3A_446 = arith.constant 0 : i32
      %dma_start3A_447 = tpu.memref_slice %arg2[%dma_start3A_445, %dma_start3A_446] : memref<8192x1024xf32, #tpu.memory_space<hbm>> -> memref<8192x1024xf32, #tpu.memory_space<hbm>>
      tpu.enqueue_indirect_dma source(%dma_start3A_447 : memref<8192x1024xf32, #tpu.memory_space<hbm>>) target(%dma_start3A_441 : memref<16x1024xf32, #tpu.memory_space<vmem>>) offsets(%dma_start3A_444 : memref<16xi32, #tpu.memory_space<vmem>>) semaphore(%arg9 : memref<!tpu.dma_semaphore, #tpu.memory_space<semaphore_mem>>)
      %add3A_448 = arith.constant 3 : i32
      %add3A_449 = arith.addi %mul3A_224, %add3A_448 : i32
      %mul3A_450 = arith.constant 16 : i32
      %mul3A_451 = arith.muli %add3A_449, %mul3A_450 : i32
      %add3A_452 = arith.addi %mul3A_2, %mul3A_451 : i32
      %dma_wait3A_453 = arith.constant 3 : i32
      %dma_wait3A_454 = arith.constant 0 : i32
      %dma_wait3A_455 = arith.constant 0 : i32
      %dma_wait3A_456 = tpu.memref_slice %arg6[%dma_wait3A_453, %dma_wait3A_454, %dma_wait3A_455] : memref<4x16x1024xf32, #tpu.memory_space<vmem>> -> memref<1x16x1024xf32, #tpu.memory_space<vmem>>
      %dma_wait3A_457 = tpu.memref_squeeze %dma_wait3A_456 : memref<1x16x1024xf32, #tpu.memory_space<vmem>> -> memref<16x1024xf32, #tpu.memory_space<vmem>>
      %dma_wait3A_458 = arith.constant 0 : i32
      %dma_wait3A_459 = tpu.memref_slice %arg4[%add3A_452, %dma_wait3A_458] : memref<32768x1024xf32, #tpu.memory_space<hbm>> -> memref<16x1024xf32, #tpu.memory_space<hbm>>
      %dma_wait3A_460 = arith.constant 0 : i32
      %dma_wait3A_461 = tpu.memref_slice %arg4[%add3A_452, %dma_wait3A_460] : memref<32768x1024xf32, #tpu.memory_space<hbm>> -> memref<16x1024xf32, #tpu.memory_space<hbm>>
      %dma_wait3A_462 = arith.constant 0 : i32
      %dma_wait3A_463 = arith.constant 0 : i32
      %dma_wait3A_464 = tpu.memref_slice %arg6[%dma_wait3A_453, %dma_wait3A_462, %dma_wait3A_463] : memref<4x16x1024xf32, #tpu.memory_space<vmem>> -> memref<1x16x1024xf32, #tpu.memory_space<vmem>>
      %dma_wait3A_465 = tpu.memref_squeeze %dma_wait3A_464 : memref<1x16x1024xf32, #tpu.memory_space<vmem>> -> memref<16x1024xf32, #tpu.memory_space<vmem>>
      tpu.wait_dma2 semaphore(%arg14 : memref<!tpu.dma_semaphore, #tpu.memory_space<semaphore_mem>>) src(%dma_wait3A_465 : memref<16x1024xf32, #tpu.memory_space<vmem>>) dst(%dma_wait3A_461 : memref<16x1024xf32, #tpu.memory_space<hbm>>)
      %add3A_466 = arith.constant 4 : i32
      %add3A_467 = arith.addi %mul3A_224, %add3A_466 : i32
      %add3A_468 = arith.constant 3 : i32
      %add3A_469 = arith.addi %add3A_467, %add3A_468 : i32
      %dma_start3A_470 = arith.constant 3 : i32
      %dma_start3A_471 = arith.constant 0 : i32
      %dma_start3A_472 = arith.constant 0 : i32
      %dma_start3A_473 = tpu.memref_slice %arg6[%dma_start3A_470, %dma_start3A_471, %dma_start3A_472] : memref<4x16x1024xf32, #tpu.memory_space<vmem>> -> memref<1x16x1024xf32, #tpu.memory_space<vmem>>
      %dma_start3A_474 = tpu.memref_squeeze %dma_start3A_473 : memref<1x16x1024xf32, #tpu.memory_space<vmem>> -> memref<16x1024xf32, #tpu.memory_space<vmem>>
      %dma_start3A_475 = arith.constant 0 : i32
      %dma_start3A_476 = tpu.memref_slice %arg5[%add3A_469, %dma_start3A_475] : memref<64x16xi32, #tpu.memory_space<vmem>> -> memref<1x16xi32, #tpu.memory_space<vmem>>
      %dma_start3A_477 = tpu.memref_squeeze %dma_start3A_476 : memref<1x16xi32, #tpu.memory_space<vmem>> -> memref<16xi32, #tpu.memory_space<vmem>>
      %dma_start3A_478 = arith.constant 0 : i32
      %dma_start3A_479 = arith.constant 0 : i32
      %dma_start3A_480 = tpu.memref_slice %arg2[%dma_start3A_478, %dma_start3A_479] : memref<8192x1024xf32, #tpu.memory_space<hbm>> -> memref<8192x1024xf32, #tpu.memory_space<hbm>>
      tpu.enqueue_indirect_dma source(%dma_start3A_480 : memref<8192x1024xf32, #tpu.memory_space<hbm>>) target(%dma_start3A_474 : memref<16x1024xf32, #tpu.memory_space<vmem>>) offsets(%dma_start3A_477 : memref<16xi32, #tpu.memory_space<vmem>>) semaphore(%arg10 : memref<!tpu.dma_semaphore, #tpu.memory_space<semaphore_mem>>)
    }
    %scan3A_54 = arith.constant 15 : i32
    %dma_wait3A = arith.constant 60 : i32
    %dma_wait3A_55 = arith.constant 0 : i32
    %dma_wait3A_56 = arith.constant 0 : i32
    %dma_wait3A_57 = arith.constant 0 : i32
    %dma_wait3A_58 = tpu.memref_slice %arg6[%dma_wait3A_55, %dma_wait3A_56, %dma_wait3A_57] : memref<4x16x1024xf32, #tpu.memory_space<vmem>> -> memref<1x16x1024xf32, #tpu.memory_space<vmem>>
    %dma_wait3A_59 = tpu.memref_squeeze %dma_wait3A_58 : memref<1x16x1024xf32, #tpu.memory_space<vmem>> -> memref<16x1024xf32, #tpu.memory_space<vmem>>
    %dma_wait3A_60 = arith.constant 0 : i32
    %dma_wait3A_61 = tpu.memref_slice %arg5[%dma_wait3A, %dma_wait3A_60] : memref<64x16xi32, #tpu.memory_space<vmem>> -> memref<1x16xi32, #tpu.memory_space<vmem>>
    %dma_wait3A_62 = tpu.memref_squeeze %dma_wait3A_61 : memref<1x16xi32, #tpu.memory_space<vmem>> -> memref<16xi32, #tpu.memory_space<vmem>>
    %dma_wait3A_63 = arith.constant 0 : i32
    %dma_wait3A_64 = arith.constant 0 : i32
    %dma_wait3A_65 = tpu.memref_slice %arg2[%dma_wait3A_63, %dma_wait3A_64] : memref<8192x1024xf32, #tpu.memory_space<hbm>> -> memref<8192x1024xf32, #tpu.memory_space<hbm>>
    tpu.wait_indirect_dma semaphore(%arg7 : memref<!tpu.dma_semaphore, #tpu.memory_space<semaphore_mem>>) src(%dma_wait3A_65 : memref<8192x1024xf32, #tpu.memory_space<hbm>>) dst(%dma_wait3A_59 : memref<16x1024xf32, #tpu.memory_space<vmem>>)
    %add3A_66 = arith.constant 960 : i32
    %add3A_67 = arith.addi %mul3A_2, %add3A_66 : i32
    %dma_start3A_68 = arith.constant 0 : i32
    %dma_start3A_69 = arith.constant 0 : i32
    %dma_start3A_70 = arith.constant 0 : i32
    %dma_start3A_71 = tpu.memref_slice %arg6[%dma_start3A_68, %dma_start3A_69, %dma_start3A_70] : memref<4x16x1024xf32, #tpu.memory_space<vmem>> -> memref<1x16x1024xf32, #tpu.memory_space<vmem>>
    %dma_start3A_72 = tpu.memref_squeeze %dma_start3A_71 : memref<1x16x1024xf32, #tpu.memory_space<vmem>> -> memref<16x1024xf32, #tpu.memory_space<vmem>>
    %dma_start3A_73 = arith.constant 0 : i32
    %dma_start3A_74 = tpu.memref_slice %arg4[%add3A_67, %dma_start3A_73] : memref<32768x1024xf32, #tpu.memory_space<hbm>> -> memref<16x1024xf32, #tpu.memory_space<hbm>>
    %dma_start3A_75 = arith.constant 0 : i32
    %dma_start3A_76 = tpu.memref_slice %arg4[%add3A_67, %dma_start3A_75] : memref<32768x1024xf32, #tpu.memory_space<hbm>> -> memref<16x1024xf32, #tpu.memory_space<hbm>>
    %dma_start3A_77 = arith.constant 0 : i32
    %dma_start3A_78 = arith.constant 0 : i32
    %dma_start3A_79 = tpu.memref_slice %arg6[%dma_start3A_68, %dma_start3A_77, %dma_start3A_78] : memref<4x16x1024xf32, #tpu.memory_space<vmem>> -> memref<1x16x1024xf32, #tpu.memory_space<vmem>>
    %dma_start3A_80 = tpu.memref_squeeze %dma_start3A_79 : memref<1x16x1024xf32, #tpu.memory_space<vmem>> -> memref<16x1024xf32, #tpu.memory_space<vmem>>
    tpu.enqueue_dma source(%dma_start3A_80 : memref<16x1024xf32, #tpu.memory_space<vmem>>) target(%dma_start3A_76 : memref<16x1024xf32, #tpu.memory_space<hbm>>) target_semaphore(%arg11 : memref<!tpu.dma_semaphore, #tpu.memory_space<semaphore_mem>>)
    %dma_wait3A_81 = arith.constant 61 : i32
    %dma_wait3A_82 = arith.constant 1 : i32
    %dma_wait3A_83 = arith.constant 0 : i32
    %dma_wait3A_84 = arith.constant 0 : i32
    %dma_wait3A_85 = tpu.memref_slice %arg6[%dma_wait3A_82, %dma_wait3A_83, %dma_wait3A_84] : memref<4x16x1024xf32, #tpu.memory_space<vmem>> -> memref<1x16x1024xf32, #tpu.memory_space<vmem>>
    %dma_wait3A_86 = tpu.memref_squeeze %dma_wait3A_85 : memref<1x16x1024xf32, #tpu.memory_space<vmem>> -> memref<16x1024xf32, #tpu.memory_space<vmem>>
    %dma_wait3A_87 = arith.constant 0 : i32
    %dma_wait3A_88 = tpu.memref_slice %arg5[%dma_wait3A_81, %dma_wait3A_87] : memref<64x16xi32, #tpu.memory_space<vmem>> -> memref<1x16xi32, #tpu.memory_space<vmem>>
    %dma_wait3A_89 = tpu.memref_squeeze %dma_wait3A_88 : memref<1x16xi32, #tpu.memory_space<vmem>> -> memref<16xi32, #tpu.memory_space<vmem>>
    %dma_wait3A_90 = arith.constant 0 : i32
    %dma_wait3A_91 = arith.constant 0 : i32
    %dma_wait3A_92 = tpu.memref_slice %arg2[%dma_wait3A_90, %dma_wait3A_91] : memref<8192x1024xf32, #tpu.memory_space<hbm>> -> memref<8192x1024xf32, #tpu.memory_space<hbm>>
    tpu.wait_indirect_dma semaphore(%arg8 : memref<!tpu.dma_semaphore, #tpu.memory_space<semaphore_mem>>) src(%dma_wait3A_92 : memref<8192x1024xf32, #tpu.memory_space<hbm>>) dst(%dma_wait3A_86 : memref<16x1024xf32, #tpu.memory_space<vmem>>)
    %add3A_93 = arith.constant 976 : i32
    %add3A_94 = arith.addi %mul3A_2, %add3A_93 : i32
    %dma_start3A_95 = arith.constant 1 : i32
    %dma_start3A_96 = arith.constant 0 : i32
    %dma_start3A_97 = arith.constant 0 : i32
    %dma_start3A_98 = tpu.memref_slice %arg6[%dma_start3A_95, %dma_start3A_96, %dma_start3A_97] : memref<4x16x1024xf32, #tpu.memory_space<vmem>> -> memref<1x16x1024xf32, #tpu.memory_space<vmem>>
    %dma_start3A_99 = tpu.memref_squeeze %dma_start3A_98 : memref<1x16x1024xf32, #tpu.memory_space<vmem>> -> memref<16x1024xf32, #tpu.memory_space<vmem>>
    %dma_start3A_100 = arith.constant 0 : i32
    %dma_start3A_101 = tpu.memref_slice %arg4[%add3A_94, %dma_start3A_100] : memref<32768x1024xf32, #tpu.memory_space<hbm>> -> memref<16x1024xf32, #tpu.memory_space<hbm>>
    %dma_start3A_102 = arith.constant 0 : i32
    %dma_start3A_103 = tpu.memref_slice %arg4[%add3A_94, %dma_start3A_102] : memref<32768x1024xf32, #tpu.memory_space<hbm>> -> memref<16x1024xf32, #tpu.memory_space<hbm>>
    %dma_start3A_104 = arith.constant 0 : i32
    %dma_start3A_105 = arith.constant 0 : i32
    %dma_start3A_106 = tpu.memref_slice %arg6[%dma_start3A_95, %dma_start3A_104, %dma_start3A_105] : memref<4x16x1024xf32, #tpu.memory_space<vmem>> -> memref<1x16x1024xf32, #tpu.memory_space<vmem>>
    %dma_start3A_107 = tpu.memref_squeeze %dma_start3A_106 : memref<1x16x1024xf32, #tpu.memory_space<vmem>> -> memref<16x1024xf32, #tpu.memory_space<vmem>>
    tpu.enqueue_dma source(%dma_start3A_107 : memref<16x1024xf32, #tpu.memory_space<vmem>>) target(%dma_start3A_103 : memref<16x1024xf32, #tpu.memory_space<hbm>>) target_semaphore(%arg12 : memref<!tpu.dma_semaphore, #tpu.memory_space<semaphore_mem>>)
    %dma_wait3A_108 = arith.constant 62 : i32
    %dma_wait3A_109 = arith.constant 2 : i32
    %dma_wait3A_110 = arith.constant 0 : i32
    %dma_wait3A_111 = arith.constant 0 : i32
    %dma_wait3A_112 = tpu.memref_slice %arg6[%dma_wait3A_109, %dma_wait3A_110, %dma_wait3A_111] : memref<4x16x1024xf32, #tpu.memory_space<vmem>> -> memref<1x16x1024xf32, #tpu.memory_space<vmem>>
    %dma_wait3A_113 = tpu.memref_squeeze %dma_wait3A_112 : memref<1x16x1024xf32, #tpu.memory_space<vmem>> -> memref<16x1024xf32, #tpu.memory_space<vmem>>
    %dma_wait3A_114 = arith.constant 0 : i32
    %dma_wait3A_115 = tpu.memref_slice %arg5[%dma_wait3A_108, %dma_wait3A_114] : memref<64x16xi32, #tpu.memory_space<vmem>> -> memref<1x16xi32, #tpu.memory_space<vmem>>
    %dma_wait3A_116 = tpu.memref_squeeze %dma_wait3A_115 : memref<1x16xi32, #tpu.memory_space<vmem>> -> memref<16xi32, #tpu.memory_space<vmem>>
    %dma_wait3A_117 = arith.constant 0 : i32
    %dma_wait3A_118 = arith.constant 0 : i32
    %dma_wait3A_119 = tpu.memref_slice %arg2[%dma_wait3A_117, %dma_wait3A_118] : memref<8192x1024xf32, #tpu.memory_space<hbm>> -> memref<8192x1024xf32, #tpu.memory_space<hbm>>
    tpu.wait_indirect_dma semaphore(%arg9 : memref<!tpu.dma_semaphore, #tpu.memory_space<semaphore_mem>>) src(%dma_wait3A_119 : memref<8192x1024xf32, #tpu.memory_space<hbm>>) dst(%dma_wait3A_113 : memref<16x1024xf32, #tpu.memory_space<vmem>>)
    %add3A_120 = arith.constant 992 : i32
    %add3A_121 = arith.addi %mul3A_2, %add3A_120 : i32
    %dma_start3A_122 = arith.constant 2 : i32
    %dma_start3A_123 = arith.constant 0 : i32
    %dma_start3A_124 = arith.constant 0 : i32
    %dma_start3A_125 = tpu.memref_slice %arg6[%dma_start3A_122, %dma_start3A_123, %dma_start3A_124] : memref<4x16x1024xf32, #tpu.memory_space<vmem>> -> memref<1x16x1024xf32, #tpu.memory_space<vmem>>
    %dma_start3A_126 = tpu.memref_squeeze %dma_start3A_125 : memref<1x16x1024xf32, #tpu.memory_space<vmem>> -> memref<16x1024xf32, #tpu.memory_space<vmem>>
    %dma_start3A_127 = arith.constant 0 : i32
    %dma_start3A_128 = tpu.memref_slice %arg4[%add3A_121, %dma_start3A_127] : memref<32768x1024xf32, #tpu.memory_space<hbm>> -> memref<16x1024xf32, #tpu.memory_space<hbm>>
    %dma_start3A_129 = arith.constant 0 : i32
    %dma_start3A_130 = tpu.memref_slice %arg4[%add3A_121, %dma_start3A_129] : memref<32768x1024xf32, #tpu.memory_space<hbm>> -> memref<16x1024xf32, #tpu.memory_space<hbm>>
    %dma_start3A_131 = arith.constant 0 : i32
    %dma_start3A_132 = arith.constant 0 : i32
    %dma_start3A_133 = tpu.memref_slice %arg6[%dma_start3A_122, %dma_start3A_131, %dma_start3A_132] : memref<4x16x1024xf32, #tpu.memory_space<vmem>> -> memref<1x16x1024xf32, #tpu.memory_space<vmem>>
    %dma_start3A_134 = tpu.memref_squeeze %dma_start3A_133 : memref<1x16x1024xf32, #tpu.memory_space<vmem>> -> memref<16x1024xf32, #tpu.memory_space<vmem>>
    tpu.enqueue_dma source(%dma_start3A_134 : memref<16x1024xf32, #tpu.memory_space<vmem>>) target(%dma_start3A_130 : memref<16x1024xf32, #tpu.memory_space<hbm>>) target_semaphore(%arg13 : memref<!tpu.dma_semaphore, #tpu.memory_space<semaphore_mem>>)
    %dma_wait3A_135 = arith.constant 63 : i32
    %dma_wait3A_136 = arith.constant 3 : i32
    %dma_wait3A_137 = arith.constant 0 : i32
    %dma_wait3A_138 = arith.constant 0 : i32
    %dma_wait3A_139 = tpu.memref_slice %arg6[%dma_wait3A_136, %dma_wait3A_137, %dma_wait3A_138] : memref<4x16x1024xf32, #tpu.memory_space<vmem>> -> memref<1x16x1024xf32, #tpu.memory_space<vmem>>
    %dma_wait3A_140 = tpu.memref_squeeze %dma_wait3A_139 : memref<1x16x1024xf32, #tpu.memory_space<vmem>> -> memref<16x1024xf32, #tpu.memory_space<vmem>>
    %dma_wait3A_141 = arith.constant 0 : i32
    %dma_wait3A_142 = tpu.memref_slice %arg5[%dma_wait3A_135, %dma_wait3A_141] : memref<64x16xi32, #tpu.memory_space<vmem>> -> memref<1x16xi32, #tpu.memory_space<vmem>>
    %dma_wait3A_143 = tpu.memref_squeeze %dma_wait3A_142 : memref<1x16xi32, #tpu.memory_space<vmem>> -> memref<16xi32, #tpu.memory_space<vmem>>
    %dma_wait3A_144 = arith.constant 0 : i32
    %dma_wait3A_145 = arith.constant 0 : i32
    %dma_wait3A_146 = tpu.memref_slice %arg2[%dma_wait3A_144, %dma_wait3A_145] : memref<8192x1024xf32, #tpu.memory_space<hbm>> -> memref<8192x1024xf32, #tpu.memory_space<hbm>>
    tpu.wait_indirect_dma semaphore(%arg10 : memref<!tpu.dma_semaphore, #tpu.memory_space<semaphore_mem>>) src(%dma_wait3A_146 : memref<8192x1024xf32, #tpu.memory_space<hbm>>) dst(%dma_wait3A_140 : memref<16x1024xf32, #tpu.memory_space<vmem>>)
    %add3A_147 = arith.constant 1008 : i32
    %add3A_148 = arith.addi %mul3A_2, %add3A_147 : i32
    %dma_start3A_149 = arith.constant 3 : i32
    %dma_start3A_150 = arith.constant 0 : i32
    %dma_start3A_151 = arith.constant 0 : i32
    %dma_start3A_152 = tpu.memref_slice %arg6[%dma_start3A_149, %dma_start3A_150, %dma_start3A_151] : memref<4x16x1024xf32, #tpu.memory_space<vmem>> -> memref<1x16x1024xf32, #tpu.memory_space<vmem>>
    %dma_start3A_153 = tpu.memref_squeeze %dma_start3A_152 : memref<1x16x1024xf32, #tpu.memory_space<vmem>> -> memref<16x1024xf32, #tpu.memory_space<vmem>>
    %dma_start3A_154 = arith.constant 0 : i32
    %dma_start3A_155 = tpu.memref_slice %arg4[%add3A_148, %dma_start3A_154] : memref<32768x1024xf32, #tpu.memory_space<hbm>> -> memref<16x1024xf32, #tpu.memory_space<hbm>>
    %dma_start3A_156 = arith.constant 0 : i32
    %dma_start3A_157 = tpu.memref_slice %arg4[%add3A_148, %dma_start3A_156] : memref<32768x1024xf32, #tpu.memory_space<hbm>> -> memref<16x1024xf32, #tpu.memory_space<hbm>>
    %dma_start3A_158 = arith.constant 0 : i32
    %dma_start3A_159 = arith.constant 0 : i32
    %dma_start3A_160 = tpu.memref_slice %arg6[%dma_start3A_149, %dma_start3A_158, %dma_start3A_159] : memref<4x16x1024xf32, #tpu.memory_space<vmem>> -> memref<1x16x1024xf32, #tpu.memory_space<vmem>>
    %dma_start3A_161 = tpu.memref_squeeze %dma_start3A_160 : memref<1x16x1024xf32, #tpu.memory_space<vmem>> -> memref<16x1024xf32, #tpu.memory_space<vmem>>
    tpu.enqueue_dma source(%dma_start3A_161 : memref<16x1024xf32, #tpu.memory_space<vmem>>) target(%dma_start3A_157 : memref<16x1024xf32, #tpu.memory_space<hbm>>) target_semaphore(%arg14 : memref<!tpu.dma_semaphore, #tpu.memory_space<semaphore_mem>>)
    %add3A_162 = arith.constant 960 : i32
    %add3A_163 = arith.addi %mul3A_2, %add3A_162 : i32
    %dma_wait3A_164 = arith.constant 0 : i32
    %dma_wait3A_165 = arith.constant 0 : i32
    %dma_wait3A_166 = arith.constant 0 : i32
    %dma_wait3A_167 = tpu.memref_slice %arg6[%dma_wait3A_164, %dma_wait3A_165, %dma_wait3A_166] : memref<4x16x1024xf32, #tpu.memory_space<vmem>> -> memref<1x16x1024xf32, #tpu.memory_space<vmem>>
    %dma_wait3A_168 = tpu.memref_squeeze %dma_wait3A_167 : memref<1x16x1024xf32, #tpu.memory_space<vmem>> -> memref<16x1024xf32, #tpu.memory_space<vmem>>
    %dma_wait3A_169 = arith.constant 0 : i32
    %dma_wait3A_170 = tpu.memref_slice %arg4[%add3A_163, %dma_wait3A_169] : memref<32768x1024xf32, #tpu.memory_space<hbm>> -> memref<16x1024xf32, #tpu.memory_space<hbm>>
    %dma_wait3A_171 = arith.constant 0 : i32
    %dma_wait3A_172 = tpu.memref_slice %arg4[%add3A_163, %dma_wait3A_171] : memref<32768x1024xf32, #tpu.memory_space<hbm>> -> memref<16x1024xf32, #tpu.memory_space<hbm>>
    %dma_wait3A_173 = arith.constant 0 : i32
    %dma_wait3A_174 = arith.constant 0 : i32
    %dma_wait3A_175 = tpu.memref_slice %arg6[%dma_wait3A_164, %dma_wait3A_173, %dma_wait3A_174] : memref<4x16x1024xf32, #tpu.memory_space<vmem>> -> memref<1x16x1024xf32, #tpu.memory_space<vmem>>
    %dma_wait3A_176 = tpu.memref_squeeze %dma_wait3A_175 : memref<1x16x1024xf32, #tpu.memory_space<vmem>> -> memref<16x1024xf32, #tpu.memory_space<vmem>>
    tpu.wait_dma2 semaphore(%arg11 : memref<!tpu.dma_semaphore, #tpu.memory_space<semaphore_mem>>) src(%dma_wait3A_176 : memref<16x1024xf32, #tpu.memory_space<vmem>>) dst(%dma_wait3A_172 : memref<16x1024xf32, #tpu.memory_space<hbm>>)
    %add3A_177 = arith.constant 976 : i32
    %add3A_178 = arith.addi %mul3A_2, %add3A_177 : i32
    %dma_wait3A_179 = arith.constant 1 : i32
    %dma_wait3A_180 = arith.constant 0 : i32
    %dma_wait3A_181 = arith.constant 0 : i32
    %dma_wait3A_182 = tpu.memref_slice %arg6[%dma_wait3A_179, %dma_wait3A_180, %dma_wait3A_181] : memref<4x16x1024xf32, #tpu.memory_space<vmem>> -> memref<1x16x1024xf32, #tpu.memory_space<vmem>>
    %dma_wait3A_183 = tpu.memref_squeeze %dma_wait3A_182 : memref<1x16x1024xf32, #tpu.memory_space<vmem>> -> memref<16x1024xf32, #tpu.memory_space<vmem>>
    %dma_wait3A_184 = arith.constant 0 : i32
    %dma_wait3A_185 = tpu.memref_slice %arg4[%add3A_178, %dma_wait3A_184] : memref<32768x1024xf32, #tpu.memory_space<hbm>> -> memref<16x1024xf32, #tpu.memory_space<hbm>>
    %dma_wait3A_186 = arith.constant 0 : i32
    %dma_wait3A_187 = tpu.memref_slice %arg4[%add3A_178, %dma_wait3A_186] : memref<32768x1024xf32, #tpu.memory_space<hbm>> -> memref<16x1024xf32, #tpu.memory_space<hbm>>
    %dma_wait3A_188 = arith.constant 0 : i32
    %dma_wait3A_189 = arith.constant 0 : i32
    %dma_wait3A_190 = tpu.memref_slice %arg6[%dma_wait3A_179, %dma_wait3A_188, %dma_wait3A_189] : memref<4x16x1024xf32, #tpu.memory_space<vmem>> -> memref<1x16x1024xf32, #tpu.memory_space<vmem>>
    %dma_wait3A_191 = tpu.memref_squeeze %dma_wait3A_190 : memref<1x16x1024xf32, #tpu.memory_space<vmem>> -> memref<16x1024xf32, #tpu.memory_space<vmem>>
    tpu.wait_dma2 semaphore(%arg12 : memref<!tpu.dma_semaphore, #tpu.memory_space<semaphore_mem>>) src(%dma_wait3A_191 : memref<16x1024xf32, #tpu.memory_space<vmem>>) dst(%dma_wait3A_187 : memref<16x1024xf32, #tpu.memory_space<hbm>>)
    %add3A_192 = arith.constant 992 : i32
    %add3A_193 = arith.addi %mul3A_2, %add3A_192 : i32
    %dma_wait3A_194 = arith.constant 2 : i32
    %dma_wait3A_195 = arith.constant 0 : i32
    %dma_wait3A_196 = arith.constant 0 : i32
    %dma_wait3A_197 = tpu.memref_slice %arg6[%dma_wait3A_194, %dma_wait3A_195, %dma_wait3A_196] : memref<4x16x1024xf32, #tpu.memory_space<vmem>> -> memref<1x16x1024xf32, #tpu.memory_space<vmem>>
    %dma_wait3A_198 = tpu.memref_squeeze %dma_wait3A_197 : memref<1x16x1024xf32, #tpu.memory_space<vmem>> -> memref<16x1024xf32, #tpu.memory_space<vmem>>
    %dma_wait3A_199 = arith.constant 0 : i32
    %dma_wait3A_200 = tpu.memref_slice %arg4[%add3A_193, %dma_wait3A_199] : memref<32768x1024xf32, #tpu.memory_space<hbm>> -> memref<16x1024xf32, #tpu.memory_space<hbm>>
    %dma_wait3A_201 = arith.constant 0 : i32
    %dma_wait3A_202 = tpu.memref_slice %arg4[%add3A_193, %dma_wait3A_201] : memref<32768x1024xf32, #tpu.memory_space<hbm>> -> memref<16x1024xf32, #tpu.memory_space<hbm>>
    %dma_wait3A_203 = arith.constant 0 : i32
    %dma_wait3A_204 = arith.constant 0 : i32
    %dma_wait3A_205 = tpu.memref_slice %arg6[%dma_wait3A_194, %dma_wait3A_203, %dma_wait3A_204] : memref<4x16x1024xf32, #tpu.memory_space<vmem>> -> memref<1x16x1024xf32, #tpu.memory_space<vmem>>
    %dma_wait3A_206 = tpu.memref_squeeze %dma_wait3A_205 : memref<1x16x1024xf32, #tpu.memory_space<vmem>> -> memref<16x1024xf32, #tpu.memory_space<vmem>>
    tpu.wait_dma2 semaphore(%arg13 : memref<!tpu.dma_semaphore, #tpu.memory_space<semaphore_mem>>) src(%dma_wait3A_206 : memref<16x1024xf32, #tpu.memory_space<vmem>>) dst(%dma_wait3A_202 : memref<16x1024xf32, #tpu.memory_space<hbm>>)
    %add3A_207 = arith.constant 1008 : i32
    %add3A_208 = arith.addi %mul3A_2, %add3A_207 : i32
    %dma_wait3A_209 = arith.constant 3 : i32
    %dma_wait3A_210 = arith.constant 0 : i32
    %dma_wait3A_211 = arith.constant 0 : i32
    %dma_wait3A_212 = tpu.memref_slice %arg6[%dma_wait3A_209, %dma_wait3A_210, %dma_wait3A_211] : memref<4x16x1024xf32, #tpu.memory_space<vmem>> -> memref<1x16x1024xf32, #tpu.memory_space<vmem>>
    %dma_wait3A_213 = tpu.memref_squeeze %dma_wait3A_212 : memref<1x16x1024xf32, #tpu.memory_space<vmem>> -> memref<16x1024xf32, #tpu.memory_space<vmem>>
    %dma_wait3A_214 = arith.constant 0 : i32
    %dma_wait3A_215 = tpu.memref_slice %arg4[%add3A_208, %dma_wait3A_214] : memref<32768x1024xf32, #tpu.memory_space<hbm>> -> memref<16x1024xf32, #tpu.memory_space<hbm>>
    %dma_wait3A_216 = arith.constant 0 : i32
    %dma_wait3A_217 = tpu.memref_slice %arg4[%add3A_208, %dma_wait3A_216] : memref<32768x1024xf32, #tpu.memory_space<hbm>> -> memref<16x1024xf32, #tpu.memory_space<hbm>>
    %dma_wait3A_218 = arith.constant 0 : i32
    %dma_wait3A_219 = arith.constant 0 : i32
    %dma_wait3A_220 = tpu.memref_slice %arg6[%dma_wait3A_209, %dma_wait3A_218, %dma_wait3A_219] : memref<4x16x1024xf32, #tpu.memory_space<vmem>> -> memref<1x16x1024xf32, #tpu.memory_space<vmem>>
    %dma_wait3A_221 = tpu.memref_squeeze %dma_wait3A_220 : memref<1x16x1024xf32, #tpu.memory_space<vmem>> -> memref<16x1024xf32, #tpu.memory_space<vmem>>
    tpu.wait_dma2 semaphore(%arg14 : memref<!tpu.dma_semaphore, #tpu.memory_space<semaphore_mem>>) src(%dma_wait3A_221 : memref<16x1024xf32, #tpu.memory_space<vmem>>) dst(%dma_wait3A_217 : memref<16x1024xf32, #tpu.memory_space<hbm>>)
    return
  }
}

</mosaic_0001>

<sc_bundles>
// kernel: kernel.3.cloned.1.call-start
scs
__scs_entry_jumppad:
0x0: {  	(pc) =	sbr.rel $0x88, $3  }
0x1: {  	(tag) =	ssettag $0x0;
	lr =	simm.s32 $0x1  }
0x2: {  	[smem:$0x3F9F] =	sst lr;
	_ =	strace $0xD0000000  }
0x3: {  	_ = 	snop  }
0x4: {  	_ = 	snop  }
0x5: {  	_ = 	snop  }
0x6: {  	_ = 	snop  }
0x7: {  	_ = 	snop  }
__scs_overlays_trampoline_lowered:
0x8: {  	[smem:$0x3FAE] =	sst s0  }
0x9: {  	[smem:$0x3FAF] =	sst s1  }
0xa: {  	[smem:$0x3FB0] =	sst s2  }
0xb: {  	[smem:$0x3FB1] =	sst s3  }
0xc: {  	[smem:$0x3FB2] =	sst s4  }
0xd: {  	[smem:$0x3FB3] =	sst s5  }
0xe: {  	[smem:$0x3FB4] =	sst s6  }
0xf: {  	[smem:$0x3FB5] =	sst s7  }
0x10: {  	[smem:$0x3FB6] =	sst s8  }
0x11: {  	[smem:$0x3FB7] =	sst s9;
	s0 =	simm.s32 @!p0 $0x0  }
0x12: {  	s1 =	sld [smem:$0x3F9D];
	s0 =	simm.s32 @p0 $0x1  }
0x13: {  	[smem:$0x3FB8] =	sst s0;
	s0 =	simm.s32 @!p1 $0x0  }
0x14: {  	s2 =	sld [smem:$0x3F9C];
	s0 =	simm.s32 @p1 $0x1  }
0x15: {  	[smem:$0x3FB9] =	sst s0;
	s0 =	simm.s32 @!p2 $0x0  }
0x16: {  	s3 =	sld [smem:$0x3FDB];
	s0 =	simm.s32 @p2 $0x1  }
0x17: {  	s4 =	simm.s32 $0x1BF5;
	[smem:$0x3FBB] =	sst s0  }
0x18: {  	s0 =	sld [smem:$0x3F9E];
	_ =	swait.ge [sflag:s4], $0x0  }
0x19: {  	s7 =	sld [smem:$0x3F9F]  }
0x1a: {  	s8 =	sadd.s32 $0xFFFFE003, lr  }
0x1b: {  	s9 =	sadd.s32 $0xFFFFFEF7, lr;
	s5 =	simm.s32 $0xFFFFFFFF;
	p2 =	slt.u32 s8, $0xFFFFF086  }
0x1c: {  	p1 =	slt.u32 s9, $0xF7A;
	s5 =	simm.s32 @!p2 $0x0  }
0x1d: {  	s5 =	simm.s32 @p1 $0x1;
	p0 =	seq.s32 s7, s2  }
0x1e: {  	s7 =	smul.u32 @!p0 $0xF7A, s2;
	p2 =	seq.s32 @!p0 s5, $0x0  }
0x1f: {  	s9 =	smul.u32 $0xF7A, s1;
	s8 =	simm.s32 @!p0 $0x1BF5;
	p2 =	por !p2, p0  }
0x20: {  	[sflag:s8] =	ssyncset.s32 @!p0 $0xFFFFF086;
	s6 =	sadd.s32 @!p0 s3, s7;
	s7 =	simm.s32 @!p0 $0x108  }
0x21: {  	s3 =	sadd.s32 s3, s9;
	s6 =	sadd.s32 @!p0 $0x88, s6;
	s7 =	simm.s32 @p2 $0x1082  }
0x22: {  	[simem:s7], [sflag:s8] =	dma.local @!p0 [hbm:s6], $0xF7A  }
0x23: {  	s9 =	sor.u32 $0xD0000000, s2;
	s6 =	simm.s32 $0x108;
	_ =	swait.ge @!p0 [sflag:s8], $0x0  }
0x24: {  	s3 =	sadd.s32 $0x88, s3;
	s6 =	simm.s32 @!p1 $0x1082;
	[sflag:s4] =	ssyncset.s32 $0xFFFFF086  }
0x25: {  	[simem:s6], [sflag:s4] =	dma.local [hbm:s3], $0xF7A  }
0x26: {  	[smem:$0x3F9F] =	sst s1;
	(tag) =	ssettag s2;
	_ =	strace s9  }
0x27: {  	s1 =	sld [smem:$0x3FAF]  }
0x28: {  	s2 =	sld [smem:$0x3FB0]  }
0x29: {  	s4 =	sld [smem:$0x3FB2]  }
0x2a: {  	p0 =	seq.s32 s5, $0x0;
	s5 =	sld [smem:$0x3FB3]  }
0x2b: {  	s6 =	sld [smem:$0x3FB4]  }
0x2c: {  	s7 =	sld [smem:$0x3FB5]  }
0x2d: {  	s3 =	simm.s32 $0x108;
	s8 =	sld [smem:$0x3FB6]  }
0x2e: {  	s3 =	simm.s32 @!p0 $0x1082;
	s9 =	sld [smem:$0x3FB7]  }
0x2f: {  	lr =	sadd.s32 s0, s3;
	s0 =	sld [smem:$0x3FAE]  }
0x30: {  	s3 =	sld [smem:$0x3FB1]  }
0x31: {  	[smem:$0x3FBA] =	sst s10  }
0x32: {  	s10 =	sld [smem:$0x3FB8];
	_ =	sdelay $0x3  }
0x33: {  	p0 =	seq.s32 s10, $0x1;
	s10 =	sld [smem:$0x3FBA];
	_ =	sdelay $0x3  }
0x34: {  	[smem:$0x3FBA] =	sst s10  }
0x35: {  	s10 =	sld [smem:$0x3FB9];
	_ =	sdelay $0x3  }
0x36: {  	p1 =	seq.s32 s10, $0x1;
	s10 =	sld [smem:$0x3FBA];
	_ =	sdelay $0x3  }
0x37: {  	[smem:$0x3FBA] =	sst s10  }
0x38: {  	s10 =	sld [smem:$0x3FBB]  }
0x39: {  	_ = 	snop;
	(pc) =	sbr.ind lr, $3  }
0x3a: {  	_ = 	snop  }
0x3b: {  	_ = 	snop  }
0x3c: {  	p2 =	seq.s32 s10, $0x1;
	s10 =	sld [smem:$0x3FBA]  }
0x3d: {  	_ =	shalt  }
0x3e: {  	_ =	shalt  }
0x3f: {  	_ =	shalt  }
0x40: {  	_ =	shalt  }
0x41: {  	_ =	shalt  }
0x42: {  	_ =	shalt  }
0x43: {  	_ =	shalt  }
0x44: {  	_ =	shalt  }
0x45: {  	_ =	shalt  }
0x46: {  	_ =	shalt  }
0x47: {  	_ =	shalt  }
0x48: {  	_ =	shalt  }
0x49: {  	_ =	shalt  }
0x4a: {  	_ =	shalt  }
0x4b: {  	_ =	shalt  }
0x4c: {  	_ =	shalt  }
0x4d: {  	_ =	shalt  }
0x4e: {  	_ =	shalt  }
0x4f: {  	_ =	shalt  }
0x50: {  	_ =	shalt  }
0x51: {  	_ =	shalt  }
0x52: {  	_ =	shalt  }
0x53: {  	_ =	shalt  }
0x54: {  	_ =	shalt  }
0x55: {  	_ =	shalt  }
0x56: {  	_ =	shalt  }
0x57: {  	_ =	shalt  }
0x58: {  	_ =	shalt  }
0x59: {  	_ =	shalt  }
0x5a: {  	_ =	shalt  }
0x5b: {  	_ =	shalt  }
0x5c: {  	_ =	shalt  }
0x5d: {  	_ =	shalt  }
0x5e: {  	_ =	shalt  }
0x5f: {  	_ =	shalt  }
0x60: {  	_ =	shalt  }
0x61: {  	_ =	shalt  }
0x62: {  	_ =	shalt  }
0x63: {  	_ =	shalt  }
0x64: {  	_ =	shalt  }
0x65: {  	_ =	shalt  }
0x66: {  	_ =	shalt  }
0x67: {  	_ =	shalt  }
0x68: {  	_ =	shalt  }
0x69: {  	_ =	shalt  }
0x6a: {  	_ =	shalt  }
0x6b: {  	_ =	shalt  }
0x6c: {  	_ =	shalt  }
0x6d: {  	_ =	shalt  }
0x6e: {  	_ =	shalt  }
0x6f: {  	_ =	shalt  }
0x70: {  	_ =	shalt  }
0x71: {  	_ =	shalt  }
0x72: {  	_ =	shalt  }
0x73: {  	_ =	shalt  }
0x74: {  	_ =	shalt  }
0x75: {  	_ =	shalt  }
0x76: {  	_ =	shalt  }
0x77: {  	_ =	shalt  }
0x78: {  	_ =	shalt  }
0x79: {  	_ =	shalt  }
0x7a: {  	_ =	shalt  }
0x7b: {  	_ =	shalt  }
0x7c: {  	_ =	shalt  }
0x7d: {  	_ =	shalt  }
0x7e: {  	_ =	shalt  }
0x7f: {  	_ =	shalt  }
0x80: {  	_ =	shalt  }
0x81: {  	_ =	shalt  }
0x82: {  	_ =	shalt  }
0x83: {  	_ =	shalt  }
0x84: {  	_ =	shalt  }
0x85: {  	_ =	shalt  }
0x86: {  	_ =	shalt  }
0x87: {  	_ =	shalt  }
.Lfunc_end0:
.L_simem_size_0:
called_computation_lowered:
.L_overlay_start_0:
0x88: {  	s2 =	sld [smem:$0x3FD9]  }
0x89: {  	s3 =	sld [smem:$0x3FFE];
	_ =	sdelay $0x1  }
0x8a: {  	s1 =	srdreg.scid  }
0x8b: {  	s0 =	sand.u32 $0x1, s1  }
0x8c: {  	s17 =	sshll.u32 s0, $0xA;
	s2 =	sadd.s32 s3, s2  }
0x8d: {  	s2 =	sadd.s32 s2, s17  }
0x8e: {  	[smem:$0x3FC6] =	sst s2  }
0x8f: {  	_ = 	snop  }
0x90: {  	s2 =	sld [smem:$0x3FC8]  }
0x91: {  	s18 =	sld [smem:$0x3FD0];
	(tm) =	ssettm $0x1  }
0x92: {  	s4 =	sld [smem:$0x3FFB];
	_ =	sdelay $0x3  }
0x93: {  	_ =	strace s4  }
0x94: {  	s4 =	sld [smem:$0x3FFC];
	_ =	sdelay $0x3  }
0x95: {  	_ =	strace s4  }
0x96: {  	s4 =	sld [smem:$0x3FFD];
	_ =	sdelay $0x3  }
0x97: {  	_ =	strace s4  }
0x98: {  	_ =	strace $0x8FFFFFFF  }
0x99: {  	s19 =	sld [smem:$0x3FDB];
	_ =	sdelay $0x1  }
0x9a: {  	s5 =	simm.s32 $_scs_section_size  }
0x9b: {  	s6 =	simm.s32 $_size__tile_overlayer_lowered;
	s7 =	simm.s32 $_tile_overlayer_lowered  }
0x9c: {  	s22 =	simm.s32 $0x1BFF;
	s21 =	sshll.u32 s7, $0x1;
	s4 =	sadd.s32 s5, s19  }
0x9d: {  	s8 =	simm.s32 $0x0;
	s20 =	sshll.u32 s6, $0x1;
	s6 =	sadd.s32 s21, s4  }
0x9e: {  	[timem:s8], [sflag:s22] =	dma.local [hbm:s6], s20  }
0x9f: {  	_ =	swait.ge [sflag:s22], s20  }
0xa0: {  	s5 =	ssub.s32 $0x0, s20;
	[sflag:s22] =	ssyncset.done $0x0  }
0xa1: {  	[sflag:s22] =	ssyncadd.s32 s5;
	_ =	sdelay $0x1  }
0xa2: {  	s23 =	simm.s32 $0x1B8B  }
0xa3: {  	_ =	swait.ge [sflag:s23], $0x1  }
0xa4: {  	[sflag:s23] =	ssyncset.done $0x0  }
0xa5: {  	s25 =	simm.s32 $0x1B8E;
	s24 =	sld [smem:$0x3FFE];
	[sflag:s23] =	ssyncadd.s32 $0xFFFFFFFF  }
0xa6: {  	s26 =	simm.s32 $execute0_lowered;
	[smem:$0x3FD2] =	sst s25  }
0xa7: {  	s6 =	sshll.u32 s26, $0x1;
	_ =	strace $0x80000046;
	[dreg:$0x1] =	wrdreg $0xFFFFFFFF  }
0xa8: {  	s28 =	simm.s32 $_size_execute0_lowered;
	s4 =	sadd.s32 s4, s6;
	[dreg:$0x0] =	wrdreg $0x0  }
0xa9: {  	s6 =	sshll.u32 s28, $0x1;
	[dreg:$0x2] =	wrdreg s4  }
0xaa: {  	[dreg:$0x3] =	wrdreg s6  }
0xab: {  	[dreg:$0x4] =	wrdreg $0xC0  }
0xac: {  	_ =	task [dreg:s8], $0x5FFFF  }
0xad: {  	[dreg:$0x1] =	wrdreg $0xFFFFFFFF  }
0xae: {  	[dreg:$0x0] =	wrdreg $0x60  }
0xaf: {  	[dreg:$0x2] =	wrdreg s2  }
0xb0: {  	[dreg:$0x3] =	wrdreg s24  }
0xb1: {  	[dreg:$0x4] =	wrdreg s18  }
0xb2: {  	[dreg:$0x5] =	wrdreg $0x9  }
0xb3: {  	_ =	task.clear_ibuf [dreg:s8], $0x6FFFF;
	_ =	strace $0x90000046  }
0xb4: {  	s29 =	simm.s32 $0x9;
	_ =	strace $0x80000048  }
0xb5: {  	_ =	swait.ge [sflag:s29], $0x1  }
0xb6: {  	[sflag:s29] =	ssyncadd.s32 $0xFFFFFFFF  }
0xb7: {  	_ =	strace $0x90000048  }
0xb8: {  	_ =	sfence  }
0xb9: {  	s30 =	sld [smem:$0x0];
	_ =	sdelay $0x2  }
0xba: {  	s31 =	sshll.u32 s1, $0xD;
	s1 =	sshrl.u32 s1, $0x2  }
0xbb: {  	s3 =	sand.u32 $0x4000, s31;
	s1 =	sadd.s32 s1, s30  }
0xbc: {  	s0 =	sor.u32 s3, s0;
	s1 =	sshll.u32 s1, $0x11  }
0xbd: {  	s0 =	sor.u32 s1, s0  }
0xbe: {  	s0 =	sadd.s32 $0x8F2B, s0  }
0xbf: {  	[sflag:s0] =	ssyncadd.remote.s32 $0x1  }
0xc0: {  	_ =	sfence.sel $0xFFFF  }
0xc1: {  	[dreg:$0x0] =	wrdreg $0xFFFFFFFF;
	(pc) =	sbr.abs _section_cstart, $3  }
0xc2: {  	[dreg:$0x1] =	wrdreg $0xFFFFFFFF  }
0xc3: {  	_ =	task.clear_ibuf [dreg:s8], $0x2FFFF;
	_ =	strace $0x9FFFFFFF  }
0xc4: {  	(tm) =	ssettm $0x7FFFFFFF  }
0xc5: {  	_ =	shalt  }
tec
execute0_lowered:
.L_overlay_start_1:
0x0: {  	(tag) =	ssettag $0x1  }
0x1: {  	s1 =	rddreg [dreg:$0x0]  }
0x2: {  	s0 =	rddreg [dreg:$0x1];
	s2 =	srdreg.scid  }
0x3: {  	s9 =	stileid.u32;
	s4 =	rddreg [dreg:$0x2]  }
0x4: {  	s20 =	simm.s32 $0x4800;
	s11 =	simm.s32 $0x5000;
	s13 =	simm.s32 $0x5800  }
0x5: {  	s31 =	simm.s32 $0x6000;
	s15 =	simm.s32 $0x6800;
	s16 =	simm.s32 $0x7000  }
0x6: {  	s17 =	simm.s32 $0x7800;
	s18 =	simm.s32 $0x8000;
	s19 =	simm.s32 $0x8800  }
0x7: {  	s14 =	simm.s32 $0x9000;
	s12 =	simm.s32 $0xE000;
	s21 =	simm.s32 $0x1  }
0x8: {  	s28 =	simm.s32 $0x6;
	s29 =	simm.s32 $0x7;
	s30 =	simm.s32 $0x8  }
0x9: {  	s2 =	sand.u32 $0x1, s2;
	s3 =	sshll.u32 s9, $0x1;
	s9 =	sshll.u32 s9, $0x12  }
0xa: {  	s7 =	sor.u32 s2, s3;
	s3 =	simm.s32 $0x0;
	s6 =	ssub.s32 $0x2, s2  }
0xb: {  	s2 =	sshll.u32 s2, $0x11;
	s5 =	sshll.u32 s7, $0xA;
	[smem:$0x7FF] =	sst s3  }
0xc: {  	s22 =	sshrl.u32 s6, $0x1;
	s23 =	sshll.u32 s7, $0x11;
	s7 =	sadd.s32 $0x300, s1  }
0xd: {  	s0 =	sadd.s32 s5, s0;
	_ =	strace $0x80000047;
	s8 =	ssub.s32 s6, s22  }
0xe: {  	s5 =	sadd.s32 $0x100, s1;
	s6 =	sadd.s32 $0x200, s1;
	s0 =	sadd.s32 $0x400, s0  }
0xf: {  	s26 =	smax.u32 s8, $0x1;
	[dreg:$0x5] =	wrdreg s0;
	s0 =	sadd.s32 s23, s4  }
0x10: {  	s22 =	simm.s32 $0x2000;
	[dreg:$0xa] =	wrdreg s26;
	s10 =	sadd.s32 $0x1E000, s0  }
0x11: {  	s8 =	simm.s32 $0x3000;
	s24 =	sadd.s32 $0x1E800, s0;
	[dreg:$0x6] =	wrdreg s10  }
0x12: {  	s4 =	sadd.s32 s9, s4;
	s25 =	sadd.s32 $0x1F000, s0;
	[dreg:$0x7] =	wrdreg s24  }
0x13: {  	s9 =	simm.s32 $0x4000;
	s0 =	sadd.s32 $0x1F800, s0;
	[dreg:$0x8] =	wrdreg s25  }
0x14: {  	s23 =	simm.s32 $0x2;
	s2 =	sadd.s32 s2, s4;
	[dreg:$0x9] =	wrdreg s0  }
0x15: {  	v2 =	vlaneseq.u32;
	s26 =	simm.s32 $0x5;
	s4 =	simm.s32 $0x2800;
	[dreg:$0x4] =	wrdreg s2  }
0x16: {  	vm0 =	vmmov $0xffff;
	v1 =	vshrl.u32 v2, $0x3;
	s2 =	simm.s32 $0x3800;
	s10 =	simm.s32 $0xA000;
	s0 =	simm.s32 $0x0  }
0x17: {  	v0 =	vand.u32 $0x7, v2;
	v2 =	vor.u32 $0x8, v2;
	v1 =	vmul.u32 $0x8, v1;
	s24 =	simm.s32 $0x3;
	s25 =	simm.s32 $0x4;
	[dreg:$0xb] =	wrdreg s0  }
.LBB2_1:
0x18: {  	s0 =	rddreg [dreg:$0x5]  }
0x19: {  	[tilespmem:s3], [sflag:$0x9] =	stream.linear.gather [hbm4b:s0+s3], $0x2000, $0x38;
	[tilespmem:$0x12000] =	vst v63  }
0x1a: {  	s0 =	simm.s32 $0x9  }
0x1b: {  	_ =	swait.ge [sflag:s0], $0x2000  }
0x1c: {  	[sflag:s0] =	ssyncset.done $0x0  }
0x1d: {  	[sflag:s0] =	ssyncadd.s32 $0xFFFFE000  }
0x1e: {  	v3 =	vld [tilespmem:$0x0];
	_ =	sdelay $0x4  }
0x1f: {  	v4 =	vshll.u32 v3, $0x3  }
0x20: {  	v3 =	vand.u32 $0x7, v3;
	v4 =	vand.u32 $0xFFFFFFC0, v4  }
0x21: {  	v3 =	vor.u32 v3, v4  }
0x22: {  	v4 =	vperm.xlane v3, v0;
	_ =	sdelay $0x1  }
0x23: {  	v4 =	vadd.s32 v1, v4;
	_ =	sdelay $0x4  }
0x24: {  	[tilespmem:s22], [sflag:$0x1] =	stream.indirect_vreg.gather [hbm4b:s1+s3], $0x80, v4, vm0, $0xb8;
	[tilespmem:$0x12000] =	vst v63  }
0x25: {  	v3 =	vperm.xlane v3, v2  }
0x26: {  	[tilespmem:s4], [sflag:$0x1] =	stream.indirect_vreg.gather [hbm4b:s5+s3], $0x80, v4, vm0, $0xb8;
	[tilespmem:$0x12000] =	vst v63  }
0x27: {  	v3 =	vadd.s32 v1, v3  }
0x28: {  	[tilespmem:s8], [sflag:$0x1] =	stream.indirect_vreg.gather [hbm4b:s6+s3], $0x80, v4, vm0, $0xb8;
	[tilespmem:$0x12000] =	vst v63  }
0x29: {  	_ = 	snop  }
0x2a: {  	[tilespmem:s2], [sflag:$0x1] =	stream.indirect_vreg.gather [hbm4b:s7+s3], $0x80, v4, vm0, $0xb8;
	[tilespmem:$0x12000] =	vst v63  }
0x2b: {  	_ = 	snop  }
0x2c: {  	[tilespmem:s9], [sflag:$0x1] =	stream.indirect_vreg.gather [hbm4b:s1+s3], $0x80, v3, vm0, $0xb8;
	[tilespmem:$0x12000] =	vst v63  }
0x2d: {  	_ = 	snop  }
0x2e: {  	[tilespmem:s20], [sflag:$0x1] =	stream.indirect_vreg.gather [hbm4b:s5+s3], $0x80, v3, vm0, $0xb8;
	[tilespmem:$0x12000] =	vst v63  }
0x2f: {  	_ = 	snop  }
0x30: {  	[tilespmem:s11], [sflag:$0x1] =	stream.indirect_vreg.gather [hbm4b:s6+s3], $0x80, v3, vm0, $0xb8;
	[tilespmem:$0x12000] =	vst v63  }
0x31: {  	_ = 	snop  }
0x32: {  	[tilespmem:s13], [sflag:$0x1] =	stream.indirect_vreg.gather [hbm4b:s7+s3], $0x80, v3, vm0, $0xb8;
	[tilespmem:$0x12000] =	vst v63  }
0x33: {  	v3 =	vld [tilespmem:$0x80];
	_ =	sdelay $0x4  }
0x34: {  	v61 =	vshll.u32 v3, $0x3  }
0x35: {  	v3 =	vand.u32 $0x7, v3;
	v4 =	vand.u32 $0xFFFFFFC0, v61  }
0x36: {  	v3 =	vor.u32 v3, v4  }
0x37: {  	v4 =	vperm.xlane v3, v0;
	_ =	sdelay $0x1  }
0x38: {  	v4 =	vadd.s32 v1, v4;
	_ =	sdelay $0x4  }
0x39: {  	[tilespmem:s31], [sflag:$0x2] =	stream.indirect_vreg.gather [hbm4b:s1+s3], $0x80, v4, vm0, $0xb8;
	[tilespmem:$0x12000] =	vst v63  }
0x3a: {  	v3 =	vperm.xlane v3, v2  }
0x3b: {  	[tilespmem:s15], [sflag:$0x2] =	stream.indirect_vreg.gather [hbm4b:s5+s3], $0x80, v4, vm0, $0xb8;
	[tilespmem:$0x12000] =	vst v63  }
0x3c: {  	v3 =	vadd.s32 v1, v3  }
0x3d: {  	[tilespmem:s16], [sflag:$0x2] =	stream.indirect_vreg.gather [hbm4b:s6+s3], $0x80, v4, vm0, $0xb8;
	[tilespmem:$0x12000] =	vst v63  }
0x3e: {  	_ = 	snop  }
0x3f: {  	[tilespmem:s17], [sflag:$0x2] =	stream.indirect_vreg.gather [hbm4b:s7+s3], $0x80, v4, vm0, $0xb8;
	[tilespmem:$0x12000] =	vst v63  }
0x40: {  	_ = 	snop  }
0x41: {  	[tilespmem:s18], [sflag:$0x2] =	stream.indirect_vreg.gather [hbm4b:s1+s3], $0x80, v3, vm0, $0xb8;
	[tilespmem:$0x12000] =	vst v63  }
0x42: {  	_ = 	snop  }
0x43: {  	[tilespmem:s19], [sflag:$0x2] =	stream.indirect_vreg.gather [hbm4b:s5+s3], $0x80, v3, vm0, $0xb8;
	[tilespmem:$0x12000] =	vst v63  }
0x44: {  	_ = 	snop  }
0x45: {  	[tilespmem:s14], [sflag:$0x2] =	stream.indirect_vreg.gather [hbm4b:s6+s3], $0x80, v3, vm0, $0xb8;
	[tilespmem:$0x12000] =	vst v63  }
0x46: {  	s11 =	simm.s32 $0x9800  }
0x47: {  	[tilespmem:s11], [sflag:$0x2] =	stream.indirect_vreg.gather [hbm4b:s7+s3], $0x80, v3, vm0, $0xb8;
	[tilespmem:$0x12000] =	vst v63  }
0x48: {  	v3 =	vld [tilespmem:$0x100];
	_ =	sdelay $0x4  }
0x49: {  	v62 =	vshll.u32 v3, $0x3  }
0x4a: {  	v3 =	vand.u32 $0x7, v3;
	v4 =	vand.u32 $0xFFFFFFC0, v62  }
0x4b: {  	v3 =	vor.u32 v3, v4  }
0x4c: {  	v4 =	vperm.xlane v3, v0;
	_ =	sdelay $0x1  }
0x4d: {  	v4 =	vadd.s32 v1, v4;
	_ =	sdelay $0x4  }
0x4e: {  	[tilespmem:s10], [sflag:$0x3] =	stream.indirect_vreg.gather [hbm4b:s1+s3], $0x80, v4, vm0, $0xb8;
	[tilespmem:$0x12000] =	vst v63  }
0x4f: {  	s13 =	simm.s32 $0xA800;
	v3 =	vperm.xlane v3, v2  }
0x50: {  	[tilespmem:s13], [sflag:$0x3] =	stream.indirect_vreg.gather [hbm4b:s5+s3], $0x80, v4, vm0, $0xb8;
	[tilespmem:$0x12000] =	vst v63  }
0x51: {  	s14 =	simm.s32 $0xB000;
	v3 =	vadd.s32 v1, v3  }
0x52: {  	[tilespmem:s14], [sflag:$0x3] =	stream.indirect_vreg.gather [hbm4b:s6+s3], $0x80, v4, vm0, $0xb8;
	[tilespmem:$0x12000] =	vst v63  }
0x53: {  	s15 =	simm.s32 $0xB800  }
0x54: {  	[tilespmem:s15], [sflag:$0x3] =	stream.indirect_vreg.gather [hbm4b:s7+s3], $0x80, v4, vm0, $0xb8;
	[tilespmem:$0x12000] =	vst v63  }
0x55: {  	s16 =	simm.s32 $0xC000  }
0x56: {  	[tilespmem:s16], [sflag:$0x3] =	stream.indirect_vreg.gather [hbm4b:s1+s3], $0x80, v3, vm0, $0xb8;
	[tilespmem:$0x12000] =	vst v63  }
0x57: {  	s17 =	simm.s32 $0xC800  }
0x58: {  	[tilespmem:s17], [sflag:$0x3] =	stream.indirect_vreg.gather [hbm4b:s5+s3], $0x80, v3, vm0, $0xb8;
	[tilespmem:$0x12000] =	vst v63  }
0x59: {  	s18 =	simm.s32 $0xD000  }
0x5a: {  	[tilespmem:s18], [sflag:$0x3] =	stream.indirect_vreg.gather [hbm4b:s6+s3], $0x80, v3, vm0, $0xb8;
	[tilespmem:$0x12000] =	vst v63  }
0x5b: {  	s19 =	simm.s32 $0xD800  }
0x5c: {  	[tilespmem:s19], [sflag:$0x3] =	stream.indirect_vreg.gather [hbm4b:s7+s3], $0x80, v3, vm0, $0xb8;
	[tilespmem:$0x12000] =	vst v63  }
0x5d: {  	v3 =	vld [tilespmem:$0x180];
	_ =	sdelay $0x4  }
0x5e: {  	v63 =	vshll.u32 v3, $0x3  }
0x5f: {  	v3 =	vand.u32 $0x7, v3;
	v4 =	vand.u32 $0xFFFFFFC0, v63  }
0x60: {  	v3 =	vor.u32 v3, v4  }
0x61: {  	v4 =	vperm.xlane v3, v0;
	_ =	sdelay $0x1  }
0x62: {  	v4 =	vadd.s32 v1, v4;
	_ =	sdelay $0x4  }
0x63: {  	[tilespmem:s12], [sflag:$0x4] =	stream.indirect_vreg.gather [hbm4b:s1+s3], $0x80, v4, vm0, $0xb8;
	[tilespmem:$0x12000] =	vst v63  }
0x64: {  	s20 =	simm.s32 $0xE800;
	v3 =	vperm.xlane v3, v2  }
0x65: {  	[tilespmem:s20], [sflag:$0x4] =	stream.indirect_vreg.gather [hbm4b:s5+s3], $0x80, v4, vm0, $0xb8;
	[tilespmem:$0x12000] =	vst v63  }
0x66: {  	s22 =	simm.s32 $0xF000;
	v3 =	vadd.s32 v1, v3  }
0x67: {  	[tilespmem:s22], [sflag:$0x4] =	stream.indirect_vreg.gather [hbm4b:s6+s3], $0x80, v4, vm0, $0xb8;
	[tilespmem:$0x12000] =	vst v63  }
0x68: {  	s31 =	simm.s32 $0xF800  }
0x69: {  	[tilespmem:s31], [sflag:$0x4] =	stream.indirect_vreg.gather [hbm4b:s7+s3], $0x80, v4, vm0, $0xb8;
	[tilespmem:$0x12000] =	vst v63  }
0x6a: {  	s0 =	simm.s32 $0x0;
	s16 =	simm.s32 $0x10000  }
0x6b: {  	[tilespmem:s16], [sflag:$0x4] =	stream.indirect_vreg.gather [hbm4b:s1+s3], $0x80, v3, vm0, $0xb8;
	[tilespmem:$0x12000] =	vst v63  }
0x6c: {  	s2 =	simm.s32 $0x380;
	s9 =	simm.s32 $0x11800;
	s18 =	simm.s32 $0x10800  }
0x6d: {  	[tilespmem:s18], [sflag:$0x4] =	stream.indirect_vreg.gather [hbm4b:s5+s3], $0x80, v3, vm0, $0xb8;
	[tilespmem:$0x12000] =	vst v63  }
0x6e: {  	s11 =	simm.s32 $0x4800;
	s14 =	simm.s32 $0x9000;
	s20 =	simm.s32 $0x11000  }
0x6f: {  	[tilespmem:s20], [sflag:$0x4] =	stream.indirect_vreg.gather [hbm4b:s6+s3], $0x80, v3, vm0, $0xb8;
	[tilespmem:$0x12000] =	vst v63  }
0x70: {  	s15 =	simm.s32 $0x5800;
	s17 =	simm.s32 $0x7000;
	s19 =	simm.s32 $0x8000  }
0x71: {  	[tilespmem:s9], [sflag:$0x4] =	stream.indirect_vreg.gather [hbm4b:s7+s3], $0x80, v3, vm0, $0xb8;
	[tilespmem:$0x12000] =	vst v63  }
.LBB2_2:
0x72: {  	_ =	swait.ge [sflag:s21], $0x4000  }
0x73: {  	s4 =	rddreg [dreg:$0x4];
	[sflag:s21] =	ssyncset.done $0x0  }
0x74: {  	s31 =	simm.s32 $0x2000;
	[sflag:s21] =	ssyncadd.s32 $0xFFFFC000;
	s4 =	sadd.s32 s0, s4  }
0x75: {  	[hbm4b:s4+s3] =	stream.linear.scatter [tilespmem:s31], [sflag:$0x5], $0x4000, $0x38;
	[tilespmem:$0x12000] =	vst v63  }
0x76: {  	_ =	swait.ge [sflag:s23], $0x4000  }
0x77: {  	[sflag:s23] =	ssyncset.done $0x0  }
0x78: {  	s10 =	simm.s32 $0x6000;
	s8 =	sadd.s32 $0x800, s4;
	[sflag:s23] =	ssyncadd.s32 $0xFFFFC000  }
0x79: {  	[hbm4b:s8+s3] =	stream.linear.scatter [tilespmem:s10], [sflag:$0x6], $0x4000, $0x38;
	[tilespmem:$0x12000] =	vst v63  }
0x7a: {  	_ =	swait.ge [sflag:s24], $0x4000  }
0x7b: {  	[sflag:s24] =	ssyncset.done $0x0  }
0x7c: {  	s13 =	simm.s32 $0xA000;
	s22 =	sadd.s32 $0x1000, s4;
	[sflag:s24] =	ssyncadd.s32 $0xFFFFC000  }
0x7d: {  	[hbm4b:s22+s3] =	stream.linear.scatter [tilespmem:s13], [sflag:$0x7], $0x4000, $0x38;
	[tilespmem:$0x12000] =	vst v63  }
0x7e: {  	_ =	swait.ge [sflag:s25], $0x4000  }
0x7f: {  	[sflag:s25] =	ssyncset.done $0x0  }
0x80: {  	s4 =	sadd.s32 $0x1800, s4;
	[sflag:s25] =	ssyncadd.s32 $0xFFFFC000  }
0x81: {  	[hbm4b:s4+s3] =	stream.linear.scatter [tilespmem:s12], [sflag:$0x8], $0x4000, $0x38;
	[tilespmem:$0x12000] =	vst v63  }
0x82: {  	_ =	swait.ge [sflag:s26], $0x4000  }
0x83: {  	[sflag:s26] =	ssyncset.done $0x0  }
0x84: {  	[sflag:s26] =	ssyncadd.s32 $0xFFFFC000  }
0x85: {  	v3 =	vld [tilespmem:s2+$0xFFFFFE80];
	_ =	sdelay $0x4  }
0x86: {  	v4 =	vshll.u32 v3, $0x3  }
0x87: {  	v3 =	vand.u32 $0x7, v3;
	v4 =	vand.u32 $0xFFFFFFC0, v4  }
0x88: {  	v3 =	vor.u32 v3, v4  }
0x89: {  	v4 =	vperm.xlane v3, v0;
	_ =	sdelay $0x1  }
0x8a: {  	v4 =	vadd.s32 v1, v4;
	_ =	sdelay $0x4  }
0x8b: {  	[tilespmem:s31], [sflag:$0x1] =	stream.indirect_vreg.gather [hbm4b:s1+s3], $0x80, v4, vm0, $0xb8;
	[tilespmem:$0x12000] =	vst v63  }
0x8c: {  	s4 =	simm.s32 $0x2800;
	v3 =	vperm.xlane v3, v2  }
0x8d: {  	[tilespmem:s4], [sflag:$0x1] =	stream.indirect_vreg.gather [hbm4b:s5+s3], $0x80, v4, vm0, $0xb8;
	[tilespmem:$0x12000] =	vst v63  }
0x8e: {  	s8 =	simm.s32 $0x3000;
	v3 =	vadd.s32 v1, v3  }
0x8f: {  	[tilespmem:s8], [sflag:$0x1] =	stream.indirect_vreg.gather [hbm4b:s6+s3], $0x80, v4, vm0, $0xb8;
	[tilespmem:$0x12000] =	vst v63  }
0x90: {  	s31 =	simm.s32 $0x3800  }
0x91: {  	[tilespmem:s31], [sflag:$0x1] =	stream.indirect_vreg.gather [hbm4b:s7+s3], $0x80, v4, vm0, $0xb8;
	[tilespmem:$0x12000] =	vst v63  }
0x92: {  	s31 =	simm.s32 $0x4000  }
0x93: {  	[tilespmem:s31], [sflag:$0x1] =	stream.indirect_vreg.gather [hbm4b:s1+s3], $0x80, v3, vm0, $0xb8;
	[tilespmem:$0x12000] =	vst v63  }
0x94: {  	_ = 	snop  }
0x95: {  	[tilespmem:s11], [sflag:$0x1] =	stream.indirect_vreg.gather [hbm4b:s5+s3], $0x80, v3, vm0, $0xb8;
	[tilespmem:$0x12000] =	vst v63  }
0x96: {  	s31 =	simm.s32 $0x5000  }
0x97: {  	[tilespmem:s31], [sflag:$0x1] =	stream.indirect_vreg.gather [hbm4b:s6+s3], $0x80, v3, vm0, $0xb8;
	[tilespmem:$0x12000] =	vst v63  }
0x98: {  	_ = 	snop  }
0x99: {  	[tilespmem:s15], [sflag:$0x1] =	stream.indirect_vreg.gather [hbm4b:s7+s3], $0x80, v3, vm0, $0xb8;
	[tilespmem:$0x12000] =	vst v63  }
0x9a: {  	_ =	swait.ge [sflag:s28], $0x4000  }
0x9b: {  	[sflag:s28] =	ssyncset.done $0x0  }
0x9c: {  	[sflag:s28] =	ssyncadd.s32 $0xFFFFC000  }
0x9d: {  	v3 =	vld [tilespmem:s2+$0xFFFFFF00];
	_ =	sdelay $0x4  }
0x9e: {  	v61 =	vshll.u32 v3, $0x3  }
0x9f: {  	v3 =	vand.u32 $0x7, v3;
	v4 =	vand.u32 $0xFFFFFFC0, v61  }
0xa0: {  	v3 =	vor.u32 v3, v4  }
0xa1: {  	v4 =	vperm.xlane v3, v0;
	_ =	sdelay $0x1  }
0xa2: {  	v4 =	vadd.s32 v1, v4;
	_ =	sdelay $0x4  }
0xa3: {  	[tilespmem:s10], [sflag:$0x2] =	stream.indirect_vreg.gather [hbm4b:s1+s3], $0x80, v4, vm0, $0xb8;
	[tilespmem:$0x12000] =	vst v63  }
0xa4: {  	v3 =	vperm.xlane v3, v2;
	s10 =	simm.s32 $0x6800  }
0xa5: {  	[tilespmem:s10], [sflag:$0x2] =	stream.indirect_vreg.gather [hbm4b:s5+s3], $0x80, v4, vm0, $0xb8;
	[tilespmem:$0x12000] =	vst v63  }
0xa6: {  	v3 =	vadd.s32 v1, v3  }
0xa7: {  	[tilespmem:s17], [sflag:$0x2] =	stream.indirect_vreg.gather [hbm4b:s6+s3], $0x80, v4, vm0, $0xb8;
	[tilespmem:$0x12000] =	vst v63  }
0xa8: {  	s10 =	simm.s32 $0x7800  }
0xa9: {  	[tilespmem:s10], [sflag:$0x2] =	stream.indirect_vreg.gather [hbm4b:s7+s3], $0x80, v4, vm0, $0xb8;
	[tilespmem:$0x12000] =	vst v63  }
0xaa: {  	_ = 	snop  }
0xab: {  	[tilespmem:s19], [sflag:$0x2] =	stream.indirect_vreg.gather [hbm4b:s1+s3], $0x80, v3, vm0, $0xb8;
	[tilespmem:$0x12000] =	vst v63  }
0xac: {  	s10 =	simm.s32 $0x8800  }
0xad: {  	[tilespmem:s10], [sflag:$0x2] =	stream.indirect_vreg.gather [hbm4b:s5+s3], $0x80, v3, vm0, $0xb8;
	[tilespmem:$0x12000] =	vst v63  }
0xae: {  	_ = 	snop  }
0xaf: {  	[tilespmem:s14], [sflag:$0x2] =	stream.indirect_vreg.gather [hbm4b:s6+s3], $0x80, v3, vm0, $0xb8;
	[tilespmem:$0x12000] =	vst v63  }
0xb0: {  	s10 =	simm.s32 $0x9800  }
0xb1: {  	[tilespmem:s10], [sflag:$0x2] =	stream.indirect_vreg.gather [hbm4b:s7+s3], $0x80, v3, vm0, $0xb8;
	[tilespmem:$0x12000] =	vst v63  }
0xb2: {  	_ =	swait.ge [sflag:s29], $0x4000  }
0xb3: {  	[sflag:s29] =	ssyncset.done $0x0  }
0xb4: {  	[sflag:s29] =	ssyncadd.s32 $0xFFFFC000  }
0xb5: {  	v3 =	vld [tilespmem:s2+$0xFFFFFF80];
	_ =	sdelay $0x4  }
0xb6: {  	v62 =	vshll.u32 v3, $0x3  }
0xb7: {  	v3 =	vand.u32 $0x7, v3;
	v4 =	vand.u32 $0xFFFFFFC0, v62  }
0xb8: {  	v3 =	vor.u32 v3, v4  }
0xb9: {  	v4 =	vperm.xlane v3, v0;
	_ =	sdelay $0x1  }
0xba: {  	v4 =	vadd.s32 v1, v4;
	_ =	sdelay $0x4  }
0xbb: {  	[tilespmem:s13], [sflag:$0x3] =	stream.indirect_vreg.gather [hbm4b:s1+s3], $0x80, v4, vm0, $0xb8;
	[tilespmem:$0x12000] =	vst v63  }
0xbc: {  	v3 =	vperm.xlane v3, v2;
	s13 =	simm.s32 $0xA800  }
0xbd: {  	[tilespmem:s13], [sflag:$0x3] =	stream.indirect_vreg.gather [hbm4b:s5+s3], $0x80, v4, vm0, $0xb8;
	[tilespmem:$0x12000] =	vst v63  }
0xbe: {  	v3 =	vadd.s32 v1, v3;
	s13 =	simm.s32 $0xB000  }
0xbf: {  	[tilespmem:s13], [sflag:$0x3] =	stream.indirect_vreg.gather [hbm4b:s6+s3], $0x80, v4, vm0, $0xb8;
	[tilespmem:$0x12000] =	vst v63  }
0xc0: {  	s13 =	simm.s32 $0xB800  }
0xc1: {  	[tilespmem:s13], [sflag:$0x3] =	stream.indirect_vreg.gather [hbm4b:s7+s3], $0x80, v4, vm0, $0xb8;
	[tilespmem:$0x12000] =	vst v63  }
0xc2: {  	s13 =	simm.s32 $0xC000  }
0xc3: {  	[tilespmem:s13], [sflag:$0x3] =	stream.indirect_vreg.gather [hbm4b:s1+s3], $0x80, v3, vm0, $0xb8;
	[tilespmem:$0x12000] =	vst v63  }
0xc4: {  	s13 =	simm.s32 $0xC800  }
0xc5: {  	[tilespmem:s13], [sflag:$0x3] =	stream.indirect_vreg.gather [hbm4b:s5+s3], $0x80, v3, vm0, $0xb8;
	[tilespmem:$0x12000] =	vst v63  }
0xc6: {  	s13 =	simm.s32 $0xD000  }
0xc7: {  	[tilespmem:s13], [sflag:$0x3] =	stream.indirect_vreg.gather [hbm4b:s6+s3], $0x80, v3, vm0, $0xb8;
	[tilespmem:$0x12000] =	vst v63  }
0xc8: {  	s13 =	simm.s32 $0xD800  }
0xc9: {  	[tilespmem:s13], [sflag:$0x3] =	stream.indirect_vreg.gather [hbm4b:s7+s3], $0x80, v3, vm0, $0xb8;
	[tilespmem:$0x12000] =	vst v63  }
0xca: {  	_ =	swait.ge [sflag:s30], $0x4000  }
0xcb: {  	[sflag:s30] =	ssyncset.done $0x0  }
0xcc: {  	[sflag:s30] =	ssyncadd.s32 $0xFFFFC000  }
0xcd: {  	v3 =	vld [tilespmem:s2+$0x0];
	_ =	sdelay $0x4  }
0xce: {  	v63 =	vshll.u32 v3, $0x3  }
0xcf: {  	v3 =	vand.u32 $0x7, v3;
	v4 =	vand.u32 $0xFFFFFFC0, v63  }
0xd0: {  	v3 =	vor.u32 v3, v4  }
0xd1: {  	v4 =	vperm.xlane v3, v0;
	_ =	sdelay $0x1  }
0xd2: {  	v4 =	vadd.s32 v1, v4;
	_ =	sdelay $0x4  }
0xd3: {  	[tilespmem:s12], [sflag:$0x4] =	stream.indirect_vreg.gather [hbm4b:s1+s3], $0x80, v4, vm0, $0xb8;
	[tilespmem:$0x12000] =	vst v63  }
0xd4: {  	s13 =	simm.s32 $0xE800;
	v3 =	vperm.xlane v3, v2  }
0xd5: {  	[tilespmem:s13], [sflag:$0x4] =	stream.indirect_vreg.gather [hbm4b:s5+s3], $0x80, v4, vm0, $0xb8;
	[tilespmem:$0x12000] =	vst v63  }
0xd6: {  	v3 =	vadd.s32 v1, v3;
	s13 =	simm.s32 $0xF000  }
0xd7: {  	[tilespmem:s13], [sflag:$0x4] =	stream.indirect_vreg.gather [hbm4b:s6+s3], $0x80, v4, vm0, $0xb8;
	[tilespmem:$0x12000] =	vst v63  }
0xd8: {  	s13 =	simm.s32 $0xF800  }
0xd9: {  	[tilespmem:s13], [sflag:$0x4] =	stream.indirect_vreg.gather [hbm4b:s7+s3], $0x80, v4, vm0, $0xb8;
	[tilespmem:$0x12000] =	vst v63  }
0xda: {  	_ = 	snop  }
0xdb: {  	[tilespmem:s16], [sflag:$0x4] =	stream.indirect_vreg.gather [hbm4b:s1+s3], $0x80, v3, vm0, $0xb8;
	[tilespmem:$0x12000] =	vst v63  }
0xdc: {  	p0 =	sne.s32 s0, $0x1C000  }
0xdd: {  	[tilespmem:s18], [sflag:$0x4] =	stream.indirect_vreg.gather [hbm4b:s5+s3], $0x80, v3, vm0, $0xb8;
	[tilespmem:$0x12000] =	vst v63  }
.Ltmp0:
0xde: {  	_ = 	snop;
	(pc) =	sbr.rel @p0 .LBB2_2-.Ltmp0, $4  }
0xdf: {  	s0 =	sadd.s32 $0x2000, s0;
	s22 =	simm.s32 $0x2000  }
0xe0: {  	[tilespmem:s20], [sflag:$0x4] =	stream.indirect_vreg.gather [hbm4b:s6+s3], $0x80, v3, vm0, $0xb8;
	[tilespmem:$0x12000] =	vst v63  }
0xe1: {  	s31 =	simm.s32 $0x6000;
	s10 =	simm.s32 $0xA000;
	s2 =	sadd.s32 $0x200, s2  }
0xe2: {  	[tilespmem:s9], [sflag:$0x4] =	stream.indirect_vreg.gather [hbm4b:s7+s3], $0x80, v3, vm0, $0xb8;
	[tilespmem:$0x12000] =	vst v63  }
0xe3: {  	_ =	swait.ge [sflag:s21], $0x4000  }
0xe4: {  	[sflag:s21] =	ssyncset.done $0x0  }
0xe5: {  	s0 =	rddreg [dreg:$0x6];
	[sflag:s21] =	ssyncadd.s32 $0xFFFFC000  }
0xe6: {  	[hbm4b:s0+s3] =	stream.linear.scatter [tilespmem:s22], [sflag:$0x5], $0x4000, $0x38;
	[tilespmem:$0x12000] =	vst v63  }
0xe7: {  	_ =	swait.ge [sflag:s23], $0x4000  }
0xe8: {  	[sflag:s23] =	ssyncset.done $0x0  }
0xe9: {  	s17 =	rddreg [dreg:$0x7];
	[sflag:s23] =	ssyncadd.s32 $0xFFFFC000  }
0xea: {  	[hbm4b:s17+s3] =	stream.linear.scatter [tilespmem:s31], [sflag:$0x6], $0x4000, $0x38;
	[tilespmem:$0x12000] =	vst v63  }
0xeb: {  	_ =	swait.ge [sflag:s24], $0x4000  }
0xec: {  	[sflag:s24] =	ssyncset.done $0x0  }
0xed: {  	s18 =	rddreg [dreg:$0x8];
	[sflag:s24] =	ssyncadd.s32 $0xFFFFC000  }
0xee: {  	[hbm4b:s18+s3] =	stream.linear.scatter [tilespmem:s10], [sflag:$0x7], $0x4000, $0x38;
	[tilespmem:$0x12000] =	vst v63  }
0xef: {  	_ =	swait.ge [sflag:s25], $0x4000  }
0xf0: {  	[sflag:s25] =	ssyncset.done $0x0  }
0xf1: {  	s19 =	rddreg [dreg:$0x9];
	[sflag:s25] =	ssyncadd.s32 $0xFFFFC000  }
0xf2: {  	[hbm4b:s19+s3] =	stream.linear.scatter [tilespmem:s12], [sflag:$0x8], $0x4000, $0x38;
	[tilespmem:$0x12000] =	vst v63  }
0xf3: {  	_ =	swait.ge [sflag:s26], $0x4000  }
0xf4: {  	[sflag:s26] =	ssyncset.done $0x0  }
0xf5: {  	[sflag:s26] =	ssyncadd.s32 $0xFFFFC000  }
0xf6: {  	_ =	swait.ge [sflag:s28], $0x4000  }
0xf7: {  	[sflag:s28] =	ssyncset.done $0x0  }
0xf8: {  	[sflag:s28] =	ssyncadd.s32 $0xFFFFC000  }
0xf9: {  	_ =	swait.ge [sflag:s29], $0x4000  }
0xfa: {  	[sflag:s29] =	ssyncset.done $0x0  }
0xfb: {  	[sflag:s29] =	ssyncadd.s32 $0xFFFFC000  }
0xfc: {  	_ =	swait.ge [sflag:s30], $0x4000  }
0xfd: {  	s2 =	rddreg [dreg:$0xb]  }
0xfe: {  	s20 =	rddreg [dreg:$0xa];
	s2 =	sadd.s32 $0x1, s2  }
0xff: {  	p0 =	sne.s32 s2, s20  }
.Ltmp1:
0x100: {  	s9 =	simm.s32 $0x4000;
	s11 =	simm.s32 $0x5000;
	(pc) =	sbr.rel @p0 .LBB2_1-.Ltmp1, $4  }
0x101: {  	s13 =	simm.s32 $0x5800;
	s15 =	simm.s32 $0x6800;
	s16 =	simm.s32 $0x7000  }
0x102: {  	s14 =	simm.s32 $0x9000;
	s17 =	simm.s32 $0x7800;
	[sflag:s30] =	ssyncset.done $0x0  }
0x103: {  	s18 =	simm.s32 $0x8000;
	s19 =	simm.s32 $0x8800;
	[sflag:s30] =	ssyncadd.s32 $0xFFFFC000  }
0x104: {  	[dreg:$0xb] =	wrdreg s2;
	s2 =	simm.s32 $0x3800;
	s20 =	simm.s32 $0x4800  }
0x105: {  	_ =	sfence.sel $0x180000  }
0x106: {  	[bflag:$0x0] =	sbarrier.arrive $0xFFFF  }
0x107: {  	_ =	strace $0x90000047  }
0x108: {  	s0 =	stileid.u32;
	[bflag:$0x2] =	sbarrier.arrive $0xFFFF  }
0x109: {  	p0 =	sne.s32 s0, $0x0;
	s0 =	rddreg [dreg:$0x3]  }
0x10a: {  	s0 =	sadd.s32 @!p0 $0x100000, s0  }
0x10b: {  	[sflag:s0] =	ssyncadd.tile.s32 @!p0 $0x1;
	_ =	shalt  }
.Lfunc_end2:
_tile_overlayer_lowered:
.L_overlay_start_2:
0x10c: {  	(tag) =	ssettag $0x2  }
0x10d: {  	s0 =	rddreg [dreg:$0x0];
	s2 =	stileid.u32  }
0x10e: {  	s1 =	rddreg [dreg:$0x1];
	p0 =	sne.s32 s2, $0x0  }
0x10f: {  	s3 =	rddreg [dreg:$0x2];
	[bflag:$0x3] =	sbarrier.arrive $0xFFFF;
	s2 =	simm.s32 @!p0 $0x1C09  }
0x110: {  	[timem:s3], [sflag:s2] =	dma.local @!p0 [hbm:s0], s1  }
0x111: {  	s0 =	simm.s32 @!p0 $0x9  }
0x112: {  	_ =	swait.ge @!p0 [sflag:s0], s1  }
0x113: {  	s1 =	ssub.s32 @!p0 $0x0, s1;
	[sflag:s0] =	ssyncset.done @!p0 $0x0  }
0x114: {  	[sflag:s0] =	ssyncadd.s32 @!p0 s1  }
0x115: {  	[bflag:$0x3] =	sbarrier.arrive $0xFFFF  }
0x116: {  	_ =	shalt  }

</sc_bundles>
